<compile_context>
chip_gen: v7x
topology: tpu7x:2x2x1
jax: 0.10.2.dev20260603
libtpu: 0.0.44.dev20260713+nightly
codegen_flags: <defaults>
</compile_context>

<pallas_src>
import functools

import jax
import jax.numpy as jnp
from jax import lax
from jax.experimental import pallas as pl
from jax.experimental.pallas import tpu as pltpu
from jax.experimental.pallas import tpu_sc as plsc

V = 100000
D = 64
NC = 2
NS = 16
NW = NC * NS

BLK = 80
SLOTS = 8
LOOKAHEAD = 4

SENT_ROWS = 51200
CHAR_ROWS = 1024000
NB_SENT = SENT_ROWS // (NW * BLK)
NB_CHAR = CHAR_ROWS // (NW * BLK)

ROWS_PER_W = V // NW
MCHUNK = 625 * D

_mesh = plsc.VectorSubcoreMesh(
    core_axis_name="c", subcore_axis_name="s", num_cores=NC, num_subcores=NS
)


@functools.partial(
    pl.kernel,
    out_type=jax.ShapeDtypeStruct((V * D,), jnp.float32),
    mesh=_mesh,
    scratch_types=[
        pltpu.VMEM((MCHUNK,), jnp.float32),
        pltpu.VMEM((MCHUNK,), jnp.float32),
        pltpu.SemaphoreType.DMA((2,)),
        pltpu.SemaphoreType.DMA((2,)),
    ],
)
def _mask_table(emb, out, buf0, buf1, isem, osem):
    wid = lax.axis_index("s") * NC + lax.axis_index("c")
    base = pl.multiple_of(wid * (ROWS_PER_W * D), 8)
    bufs = (buf0, buf1)
    nch = (ROWS_PER_W * D) // MCHUNK

    def in_cp(c):
        return pltpu.make_async_copy(
            emb.at[pl.ds(base + c * MCHUNK, MCHUNK)], bufs[c % 2], isem.at[c % 2]
        )

    def out_cp(c):
        return pltpu.make_async_copy(
            bufs[c % 2], out.at[pl.ds(base + c * MCHUNK, MCHUNK)], osem.at[c % 2]
        )

    in_cp(0).start()
    for c in range(nch):
        in_cp(c).wait()
        if c == 0:
            @pl.when(wid == 0)
            def _():
                zf = jnp.zeros((16,), jnp.float32)
                for cc in range(D // 16):
                    buf0[pl.ds(cc * 16, 16)] = zf
        out_cp(c).start()
        if c + 1 < nch:
            if c >= 1:
                out_cp(c - 1).wait()
            in_cp(c + 1).start()
    out_cp(nch - 2).wait()
    out_cp(nch - 1).wait()


def _stream(table, idx_hbm, out_hbm, idx_v, rows, gsem, wsem, wid, nblk):
    base = wid * nblk
    ibase = pl.multiple_of(base * BLK, 8)
    pltpu.sync_copy(idx_hbm.at[pl.ds(ibase, nblk * BLK)], idx_v.at[pl.ds(0, nblk * BLK)])

    def gather_cp(i, slot):
        return pltpu.make_async_copy(
            table.at[idx_v.at[pl.ds(i * BLK, BLK)]], rows.at[slot], gsem.at[slot]
        )

    def wb_cp(i, slot):
        return pltpu.make_async_copy(
            rows.at[slot],
            out_hbm.at[pl.ds(pl.multiple_of((base + i) * BLK, 8), BLK)],
            wsem.at[slot],
        )

    def prologue(b, carry):
        gather_cp(b, b % SLOTS).start()
        return carry

    lax.fori_loop(0, LOOKAHEAD, prologue, 0)

    def body(i, carry):
        slot = i % SLOTS
        gather_cp(i, slot).wait()
        wb_cp(i, slot).start()
        j = i + LOOKAHEAD

        @pl.when(j < nblk)
        def _():
            @pl.when(j >= SLOTS)
            def _():
                wb_cp(j - SLOTS, j % SLOTS).wait()

            gather_cp(j, j % SLOTS).start()

        return carry

    lax.fori_loop(0, nblk, body, 0)

    def drain(i, carry):
        wb_cp(i, i % SLOTS).wait()
        return carry

    lax.fori_loop(max(nblk - SLOTS, 0), nblk, drain, 0)


@functools.partial(
    pl.kernel,
    out_type=(
        jax.ShapeDtypeStruct((SENT_ROWS, D), jnp.float32),
        jax.ShapeDtypeStruct((CHAR_ROWS, D), jnp.float32),
        jax.ShapeDtypeStruct((CHAR_ROWS, D), jnp.float32),
    ),
    mesh=_mesh,
    scratch_types=[
        pltpu.VMEM((NB_CHAR * BLK,), jnp.int32),
        pltpu.VMEM((SLOTS, BLK, D), jnp.float32),
        pltpu.SemaphoreType.DMA((SLOTS,)),
        pltpu.SemaphoreType.DMA((SLOTS,)),
    ],
    compiler_params=pltpu.CompilerParams(use_tc_tiling_on_sc=False),
)
def _gather_all(table, sidx, cidx, nidx, sout, cout, nout, idx_v, rows, gsem, wsem):
    wid = lax.axis_index("s") * NC + lax.axis_index("c")
    _stream(table, sidx, sout, idx_v, rows, gsem, wsem, wid, NB_SENT)
    _stream(table, cidx, cout, idx_v, rows, gsem, wsem, wid, NB_CHAR)
    _stream(table, nidx, nout, idx_v, rows, gsem, wsem, wid, NB_CHAR)


def _make_transpose(n_items, rpi, wblk=128):
    P = (rpi * D) // 128

    def body(in_ref, out_ref):
        x = in_ref[...].reshape(wblk, P, 128)
        for p in range(P):
            out_ref[p] = x[:, p, :].T

    return pl.pallas_call(
        body,
        grid=(n_items // wblk,),
        in_specs=[pl.BlockSpec((wblk * P, 128), lambda i: (i, 0))],
        out_specs=pl.BlockSpec((P, 128, wblk), lambda i: (0, 0, i)),
        out_shape=jax.ShapeDtypeStruct((P, 128, n_items), jnp.float32),
    )


_tr_sent = _make_transpose(1024, 50)
_tr_char = _make_transpose(SENT_ROWS, 20)


def kernel(sent_input, char_input, n_gram_input, emb):
    si = sent_input.astype(jnp.int32).reshape(SENT_ROWS)
    ci = char_input.astype(jnp.int32).reshape(CHAR_ROWS)
    ni = n_gram_input.astype(jnp.int32).reshape(CHAR_ROWS)
    emb_flat = emb.astype(jnp.float32).reshape(V * D)
    masked = _mask_table(emb_flat).reshape(V, D)
    s, c, n = _gather_all(masked, si, ci, ni)
    st = _tr_sent(s.reshape(SENT_ROWS * D // 128, 128))
    ct = _tr_char(c.reshape(CHAR_ROWS * D // 128, 128))
    nt = _tr_char(n.reshape(CHAR_ROWS * D // 128, 128))
    return (
        jnp.transpose(st.reshape(50, D, 1024), (2, 0, 1)),
        jnp.transpose(ct.reshape(20, D, SENT_ROWS), (2, 0, 1)),
        jnp.transpose(nt.reshape(20, D, SENT_ROWS), (2, 0, 1)),
    )

# --- scband reference (transcript-rebuilt; emitter-appended) ---
"""Pipeline reference for scband-parser-model-17274358464616 (READ-ONLY COPY).

The authoritative reference and input builder live on the scoring server;
editing this copy changes nothing except your own understanding.
"""

import jax, jax.numpy as jnp
import numpy as np

VOCAB = 100000
D = 64
PAD_ID = 0
B = 1024
SENT_LEN = 50
N_CHAR = 20


def setup_inputs(seed: int = 0) -> dict:
    key = jax.random.key(seed)
    k1, k2, k3, k4 = jax.random.split(key, 4)
    sent_input = jax.random.randint(k1, (B, SENT_LEN), 0, VOCAB)
    char_input = jax.random.randint(k2, (B, SENT_LEN, N_CHAR), 0, VOCAB)
    n_gram_input = jax.random.randint(k3, (B, SENT_LEN, N_CHAR), 0, VOCAB)
    # pretrained embedding table (learned parameter)
    emb = jax.random.normal(k4, (VOCAB, D), dtype=jnp.float32) * 0.02
    return {
        "sent_input": sent_input,
        "char_input": char_input,
        "n_gram_input": n_gram_input,
        "emb": emb,
    }


def reference(sent_input, char_input, n_gram_input, emb):
    # Faithful translation of ParserModel.add_embedding:
    # tf.scatter_update(emb, pad_id, zeros) -> emb.at[PAD_ID].set(0)
    emb_masked = emb.at[PAD_ID].set(jnp.zeros((D,), dtype=emb.dtype))
    # tf.nn.embedding_lookup -> jnp.take(table, idx, axis=0)
    sent_emb = jnp.take(emb_masked, sent_input, axis=0)            # [B, sent_len, D]
    char_emb = jnp.take(emb_masked, char_input, axis=0)            # [B, sent_len, n_char, D]
    n_gram_emb = jnp.take(emb_masked, n_gram_input, axis=0)        # [B, sent_len, n_char, D]
    # tf.reshape(..., [-1, n_char, embed_size])
    char_emb = char_emb.reshape(-1, N_CHAR, D)
    n_gram_emb = n_gram_emb.reshape(-1, N_CHAR, D)
    return (sent_emb, char_emb, n_gram_emb)

if __name__ == "__main__":
    import jax
    _d = setup_inputs()
    print(jax.jit(kernel)(*tuple(_d.values())))

</pallas_src>

<mosaic_0001>
#map = affine_map<(d0, d1) -> (0, 0)>
#map1 = affine_map<(d0, d1) -> (0)>
module attributes {stable_mosaic.version = 14 : i64} {
  func.func @_gather_all(%arg0: i32, %arg1: i32, %arg2: memref<100000x64xf32, #tpu.memory_space<hbm>>, %arg3: memref<51200xi32, #tpu.memory_space<hbm>>, %arg4: memref<1024000xi32, #tpu.memory_space<hbm>>, %arg5: memref<1024000xi32, #tpu.memory_space<hbm>>, %arg6: memref<51200x64xf32, #tpu.memory_space<hbm>>, %arg7: memref<1024000x64xf32, #tpu.memory_space<hbm>>, %arg8: memref<1024000x64xf32, #tpu.memory_space<hbm>>, %arg9: memref<32000xi32, #tpu.memory_space<vmem>>, %arg10: memref<8x80x64xf32, #tpu.memory_space<vmem>>, %arg11: memref<8x!tpu.dma_semaphore, #tpu.memory_space<semaphore_mem>>, %arg12: memref<8x!tpu.dma_semaphore, #tpu.memory_space<semaphore_mem>>) attributes {dimension_semantics = [#tpu.dimension_semantics<core_parallel>, #tpu.dimension_semantics<subcore_parallel>], iteration_bounds = array<i64: 2, 16>, scalar_prefetch = 0 : i64, scratch_operands = 4 : i64, tpu.core_type = #tpu.core_type<sc_vector_subcore>, window_params = [{transform_indices = #map}, {transform_indices = #map1}, {transform_indices = #map1}, {transform_indices = #map1}, {transform_indices = #map}, {transform_indices = #map}, {transform_indices = #map}]} {
    %mul3A = arith.constant 2 : i32
    %mul3A_0 = arith.muli %arg1, %mul3A : i32
    %add3A = arith.addi %mul3A_0, %arg0 : i32
    %mul3A_1 = arith.constant 20 : i32
    %mul3A_2 = arith.muli %add3A, %mul3A_1 : i32
    %mul3A_3 = arith.constant 80 : i32
    %mul3A_4 = arith.muli %mul3A_2, %mul3A_3 : i32
    %multiple_of3A = tpu.assume_multiple %mul3A_4, 8 : i32
    "tpu.region"() ({
      %run_scoped3A = tpu.sem_alloc : memref<!tpu.dma_semaphore, #tpu.memory_space<semaphore_mem>>
      %dma_start3A = arith.constant 0 : i32
      %dma_start3A_68 = tpu.memref_slice %arg9[%dma_start3A] : memref<32000xi32, #tpu.memory_space<vmem>> -> memref<1600xi32, #tpu.memory_space<vmem>>
      %dma_start3A_69 = tpu.memref_slice %arg3[%multiple_of3A] : memref<51200xi32, #tpu.memory_space<hbm>> -> memref<1600xi32, #tpu.memory_space<hbm>>
      %dma_start3A_70 = arith.constant 0 : i32
      %dma_start3A_71 = tpu.memref_slice %arg9[%dma_start3A_70] : memref<32000xi32, #tpu.memory_space<vmem>> -> memref<1600xi32, #tpu.memory_space<vmem>>
      %dma_start3A_72 = tpu.memref_slice %arg3[%multiple_of3A] : memref<51200xi32, #tpu.memory_space<hbm>> -> memref<1600xi32, #tpu.memory_space<hbm>>
      tpu.enqueue_dma source(%dma_start3A_72 : memref<1600xi32, #tpu.memory_space<hbm>>) target(%dma_start3A_71 : memref<1600xi32, #tpu.memory_space<vmem>>) target_semaphore(%run_scoped3A : memref<!tpu.dma_semaphore, #tpu.memory_space<semaphore_mem>>)
      %dma_wait3A = arith.constant 0 : i32
      %dma_wait3A_73 = tpu.memref_slice %arg9[%dma_wait3A] : memref<32000xi32, #tpu.memory_space<vmem>> -> memref<1600xi32, #tpu.memory_space<vmem>>
      %dma_wait3A_74 = tpu.memref_slice %arg3[%multiple_of3A] : memref<51200xi32, #tpu.memory_space<hbm>> -> memref<1600xi32, #tpu.memory_space<hbm>>
      %dma_wait3A_75 = arith.constant 0 : i32
      %dma_wait3A_76 = tpu.memref_slice %arg9[%dma_wait3A_75] : memref<32000xi32, #tpu.memory_space<vmem>> -> memref<1600xi32, #tpu.memory_space<vmem>>
      %dma_wait3A_77 = tpu.memref_slice %arg3[%multiple_of3A] : memref<51200xi32, #tpu.memory_space<hbm>> -> memref<1600xi32, #tpu.memory_space<hbm>>
      tpu.wait_dma2 semaphore(%run_scoped3A : memref<!tpu.dma_semaphore, #tpu.memory_space<semaphore_mem>>) src(%dma_wait3A_77 : memref<1600xi32, #tpu.memory_space<hbm>>) dst(%dma_wait3A_76 : memref<1600xi32, #tpu.memory_space<vmem>>)
      tpu.yield
    }) : () -> ()
    %scan3A = arith.constant 0 : i32
    %scan3A_5 = arith.constant 0 : i32
    %scan3A_6 = arith.constant 4 : i32
    %scan3A_7 = arith.addi %scan3A_5, %scan3A_6 : i32
    %scan3A_8 = arith.constant 1 : i32
    scf.for %scan3A_68 = %scan3A_5 to %scan3A_7 step %scan3A_8  : i32 {
      %jit3A = arith.constant 8 : i32
      %eq3A = arith.constant 0 : i32
      %eq3A_69 = arith.cmpi eq, %jit3A, %eq3A : i32
      %jit3A_70 = arith.constant 1 : i32
      %select_n3A = arith.select %eq3A_69, %jit3A_70, %jit3A : i32
      %rem3A = arith.remsi %scan3A_68, %select_n3A : i32
      %ne3A = arith.constant 0 : i32
      %ne3A_71 = arith.cmpi ne, %rem3A, %ne3A : i32
      %lt3A = arith.constant 0 : i32
      %lt3A_72 = arith.cmpi slt, %rem3A, %lt3A : i32
      %lt3A_73 = arith.constant 0 : i32
      %lt3A_74 = arith.cmpi slt, %select_n3A, %lt3A_73 : i32
      %ne3A_75 = arith.xori %lt3A_72, %lt3A_74 : i1
      %and3A = arith.andi %ne3A_75, %ne3A_71 : i1
      %add3A_76 = arith.addi %rem3A, %select_n3A : i32
      %select_n3A_77 = arith.select %and3A, %add3A_76, %rem3A : i32
      %mul3A_78 = arith.constant 80 : i32
      %mul3A_79 = arith.muli %scan3A_68, %mul3A_78 : i32
      %dma_start3A = arith.constant 0 : i32
      %dma_start3A_80 = arith.constant 0 : i32
      %dma_start3A_81 = tpu.memref_slice %arg10[%select_n3A_77, %dma_start3A, %dma_start3A_80] : memref<8x80x64xf32, #tpu.memory_space<vmem>> -> memref<1x80x64xf32, #tpu.memory_space<vmem>>
      %dma_start3A_82 = tpu.memref_squeeze %dma_start3A_81 : memref<1x80x64xf32, #tpu.memory_space<vmem>> -> memref<80x64xf32, #tpu.memory_space<vmem>>
      %dma_start3A_83 = tpu.memref_slice %arg9[%mul3A_79] : memref<32000xi32, #tpu.memory_space<vmem>> -> memref<80xi32, #tpu.memory_space<vmem>>
      %dma_start3A_84 = arith.constant 0 : i32
      %dma_start3A_85 = arith.constant 0 : i32
      %dma_start3A_86 = tpu.memref_slice %arg2[%dma_start3A_84, %dma_start3A_85] : memref<100000x64xf32, #tpu.memory_space<hbm>> -> memref<100000x64xf32, #tpu.memory_space<hbm>>
      %dma_start3A_87 = tpu.memref_slice %arg11[%select_n3A_77] : memref<8x!tpu.dma_semaphore, #tpu.memory_space<semaphore_mem>> -> memref<1x!tpu.dma_semaphore, #tpu.memory_space<semaphore_mem>>
      %dma_start3A_88 = tpu.memref_squeeze %dma_start3A_87 : memref<1x!tpu.dma_semaphore, #tpu.memory_space<semaphore_mem>> -> memref<!tpu.dma_semaphore, #tpu.memory_space<semaphore_mem>>
      tpu.enqueue_indirect_dma source(%dma_start3A_86 : memref<100000x64xf32, #tpu.memory_space<hbm>>) target(%dma_start3A_82 : memref<80x64xf32, #tpu.memory_space<vmem>>) offsets(%dma_start3A_83 : memref<80xi32, #tpu.memory_space<vmem>>) semaphore(%dma_start3A_88 : memref<!tpu.dma_semaphore, #tpu.memory_space<semaphore_mem>>)
    }
    %scan3A_9 = arith.constant 4 : i32
    %scan3A_10 = arith.constant 0 : i32
    %scan3A_11 = arith.constant 0 : i32
    %scan3A_12 = arith.constant 20 : i32
    %scan3A_13 = arith.addi %scan3A_11, %scan3A_12 : i32
    %scan3A_14 = arith.constant 1 : i32
    scf.for %scan3A_68 = %scan3A_11 to %scan3A_13 step %scan3A_14  : i32 {
      %jit3A = arith.constant 8 : i32
      %eq3A = arith.constant 0 : i32
      %eq3A_69 = arith.cmpi eq, %jit3A, %eq3A : i32
      %jit3A_70 = arith.constant 1 : i32
      %select_n3A = arith.select %eq3A_69, %jit3A_70, %jit3A : i32
      %rem3A = arith.remsi %scan3A_68, %select_n3A : i32
      %ne3A = arith.constant 0 : i32
      %ne3A_71 = arith.cmpi ne, %rem3A, %ne3A : i32
      %lt3A = arith.constant 0 : i32
      %lt3A_72 = arith.cmpi slt, %rem3A, %lt3A : i32
      %lt3A_73 = arith.constant 0 : i32
      %lt3A_74 = arith.cmpi slt, %select_n3A, %lt3A_73 : i32
      %ne3A_75 = arith.xori %lt3A_72, %lt3A_74 : i1
      %and3A = arith.andi %ne3A_75, %ne3A_71 : i1
      %add3A_76 = arith.addi %rem3A, %select_n3A : i32
      %select_n3A_77 = arith.select %and3A, %add3A_76, %rem3A : i32
      %mul3A_78 = arith.constant 80 : i32
      %mul3A_79 = arith.muli %scan3A_68, %mul3A_78 : i32
      %dma_wait3A = arith.constant 0 : i32
      %dma_wait3A_80 = arith.constant 0 : i32
      %dma_wait3A_81 = tpu.memref_slice %arg10[%select_n3A_77, %dma_wait3A, %dma_wait3A_80] : memref<8x80x64xf32, #tpu.memory_space<vmem>> -> memref<1x80x64xf32, #tpu.memory_space<vmem>>
      %dma_wait3A_82 = tpu.memref_squeeze %dma_wait3A_81 : memref<1x80x64xf32, #tpu.memory_space<vmem>> -> memref<80x64xf32, #tpu.memory_space<vmem>>
      %dma_wait3A_83 = tpu.memref_slice %arg9[%mul3A_79] : memref<32000xi32, #tpu.memory_space<vmem>> -> memref<80xi32, #tpu.memory_space<vmem>>
      %dma_wait3A_84 = arith.constant 0 : i32
      %dma_wait3A_85 = arith.constant 0 : i32
      %dma_wait3A_86 = tpu.memref_slice %arg2[%dma_wait3A_84, %dma_wait3A_85] : memref<100000x64xf32, #tpu.memory_space<hbm>> -> memref<100000x64xf32, #tpu.memory_space<hbm>>
      %dma_wait3A_87 = tpu.memref_slice %arg11[%select_n3A_77] : memref<8x!tpu.dma_semaphore, #tpu.memory_space<semaphore_mem>> -> memref<1x!tpu.dma_semaphore, #tpu.memory_space<semaphore_mem>>
      %dma_wait3A_88 = tpu.memref_squeeze %dma_wait3A_87 : memref<1x!tpu.dma_semaphore, #tpu.memory_space<semaphore_mem>> -> memref<!tpu.dma_semaphore, #tpu.memory_space<semaphore_mem>>
      tpu.wait_indirect_dma semaphore(%dma_wait3A_88 : memref<!tpu.dma_semaphore, #tpu.memory_space<semaphore_mem>>) src(%dma_wait3A_86 : memref<100000x64xf32, #tpu.memory_space<hbm>>) dst(%dma_wait3A_82 : memref<80x64xf32, #tpu.memory_space<vmem>>)
      %add3A_89 = arith.addi %mul3A_2, %scan3A_68 : i32
      %mul3A_90 = arith.constant 80 : i32
      %mul3A_91 = arith.muli %add3A_89, %mul3A_90 : i32
      %multiple_of3A_92 = tpu.assume_multiple %mul3A_91, 8 : i32
      %dma_start3A = arith.constant 0 : i32
      %dma_start3A_93 = arith.constant 0 : i32
      %dma_start3A_94 = tpu.memref_slice %arg10[%select_n3A_77, %dma_start3A, %dma_start3A_93] : memref<8x80x64xf32, #tpu.memory_space<vmem>> -> memref<1x80x64xf32, #tpu.memory_space<vmem>>
      %dma_start3A_95 = tpu.memref_squeeze %dma_start3A_94 : memref<1x80x64xf32, #tpu.memory_space<vmem>> -> memref<80x64xf32, #tpu.memory_space<vmem>>
      %dma_start3A_96 = arith.constant 0 : i32
      %dma_start3A_97 = tpu.memref_slice %arg6[%multiple_of3A_92, %dma_start3A_96] : memref<51200x64xf32, #tpu.memory_space<hbm>> -> memref<80x64xf32, #tpu.memory_space<hbm>>
      %dma_start3A_98 = tpu.memref_slice %arg12[%select_n3A_77] : memref<8x!tpu.dma_semaphore, #tpu.memory_space<semaphore_mem>> -> memref<1x!tpu.dma_semaphore, #tpu.memory_space<semaphore_mem>>
      %dma_start3A_99 = tpu.memref_squeeze %dma_start3A_98 : memref<1x!tpu.dma_semaphore, #tpu.memory_space<semaphore_mem>> -> memref<!tpu.dma_semaphore, #tpu.memory_space<semaphore_mem>>
      %dma_start3A_100 = arith.constant 0 : i32
      %dma_start3A_101 = tpu.memref_slice %arg6[%multiple_of3A_92, %dma_start3A_100] : memref<51200x64xf32, #tpu.memory_space<hbm>> -> memref<80x64xf32, #tpu.memory_space<hbm>>
      %dma_start3A_102 = arith.constant 0 : i32
      %dma_start3A_103 = arith.constant 0 : i32
      %dma_start3A_104 = tpu.memref_slice %arg10[%select_n3A_77, %dma_start3A_102, %dma_start3A_103] : memref<8x80x64xf32, #tpu.memory_space<vmem>> -> memref<1x80x64xf32, #tpu.memory_space<vmem>>
      %dma_start3A_105 = tpu.memref_squeeze %dma_start3A_104 : memref<1x80x64xf32, #tpu.memory_space<vmem>> -> memref<80x64xf32, #tpu.memory_space<vmem>>
      tpu.enqueue_dma source(%dma_start3A_105 : memref<80x64xf32, #tpu.memory_space<vmem>>) target(%dma_start3A_101 : memref<80x64xf32, #tpu.memory_space<hbm>>) target_semaphore(%dma_start3A_99 : memref<!tpu.dma_semaphore, #tpu.memory_space<semaphore_mem>>)
      %add3A_106 = arith.constant 4 : i32
      %add3A_107 = arith.addi %scan3A_68, %add3A_106 : i32
      %lt3A_108 = arith.constant 20 : i32
      %lt3A_109 = arith.cmpi slt, %add3A_107, %lt3A_108 : i32
      %convert_element_type3A = arith.extui %lt3A_109 : i1 to i32
      %cond3A = arith.constant 0 : i32
      %cond3A_110 = arith.cmpi ne, %convert_element_type3A, %cond3A : i32
      scf.if %cond3A_110 {
        %ge3A = arith.constant 8 : i32
        %ge3A_111 = arith.cmpi sge, %add3A_107, %ge3A : i32
        %convert_element_type3A_112 = arith.extui %ge3A_111 : i1 to i32
        %cond3A_113 = arith.constant 0 : i32
        %cond3A_114 = arith.cmpi ne, %convert_element_type3A_112, %cond3A_113 : i32
        scf.if %cond3A_114 {
          %sub3A = arith.constant 8 : i32
          %sub3A_143 = arith.subi %add3A_107, %sub3A : i32
          %jit3A_144 = arith.constant 8 : i32
          %eq3A_145 = arith.constant 0 : i32
          %eq3A_146 = arith.cmpi eq, %jit3A_144, %eq3A_145 : i32
          %jit3A_147 = arith.constant 1 : i32
          %select_n3A_148 = arith.select %eq3A_146, %jit3A_147, %jit3A_144 : i32
          %rem3A_149 = arith.remsi %add3A_107, %select_n3A_148 : i32
          %ne3A_150 = arith.constant 0 : i32
          %ne3A_151 = arith.cmpi ne, %rem3A_149, %ne3A_150 : i32
          %lt3A_152 = arith.constant 0 : i32
          %lt3A_153 = arith.cmpi slt, %rem3A_149, %lt3A_152 : i32
          %lt3A_154 = arith.constant 0 : i32
          %lt3A_155 = arith.cmpi slt, %select_n3A_148, %lt3A_154 : i32
          %ne3A_156 = arith.xori %lt3A_153, %lt3A_155 : i1
          %and3A_157 = arith.andi %ne3A_156, %ne3A_151 : i1
          %add3A_158 = arith.addi %rem3A_149, %select_n3A_148 : i32
          %select_n3A_159 = arith.select %and3A_157, %add3A_158, %rem3A_149 : i32
          %add3A_160 = arith.addi %mul3A_2, %sub3A_143 : i32
          %mul3A_161 = arith.constant 80 : i32
          %mul3A_162 = arith.muli %add3A_160, %mul3A_161 : i32
          %multiple_of3A_163 = tpu.assume_multiple %mul3A_162, 8 : i32
          %dma_wait3A_164 = arith.constant 0 : i32
          %dma_wait3A_165 = arith.constant 0 : i32
          %dma_wait3A_166 = tpu.memref_slice %arg10[%select_n3A_159, %dma_wait3A_164, %dma_wait3A_165] : memref<8x80x64xf32, #tpu.memory_space<vmem>> -> memref<1x80x64xf32, #tpu.memory_space<vmem>>
          %dma_wait3A_167 = tpu.memref_squeeze %dma_wait3A_166 : memref<1x80x64xf32, #tpu.memory_space<vmem>> -> memref<80x64xf32, #tpu.memory_space<vmem>>
          %dma_wait3A_168 = arith.constant 0 : i32
          %dma_wait3A_169 = tpu.memref_slice %arg6[%multiple_of3A_163, %dma_wait3A_168] : memref<51200x64xf32, #tpu.memory_space<hbm>> -> memref<80x64xf32, #tpu.memory_space<hbm>>
          %dma_wait3A_170 = tpu.memref_slice %arg12[%select_n3A_159] : memref<8x!tpu.dma_semaphore, #tpu.memory_space<semaphore_mem>> -> memref<1x!tpu.dma_semaphore, #tpu.memory_space<semaphore_mem>>
          %dma_wait3A_171 = tpu.memref_squeeze %dma_wait3A_170 : memref<1x!tpu.dma_semaphore, #tpu.memory_space<semaphore_mem>> -> memref<!tpu.dma_semaphore, #tpu.memory_space<semaphore_mem>>
          %dma_wait3A_172 = arith.constant 0 : i32
          %dma_wait3A_173 = tpu.memref_slice %arg6[%multiple_of3A_163, %dma_wait3A_172] : memref<51200x64xf32, #tpu.memory_space<hbm>> -> memref<80x64xf32, #tpu.memory_space<hbm>>
          %dma_wait3A_174 = arith.constant 0 : i32
          %dma_wait3A_175 = arith.constant 0 : i32
          %dma_wait3A_176 = tpu.memref_slice %arg10[%select_n3A_159, %dma_wait3A_174, %dma_wait3A_175] : memref<8x80x64xf32, #tpu.memory_space<vmem>> -> memref<1x80x64xf32, #tpu.memory_space<vmem>>
          %dma_wait3A_177 = tpu.memref_squeeze %dma_wait3A_176 : memref<1x80x64xf32, #tpu.memory_space<vmem>> -> memref<80x64xf32, #tpu.memory_space<vmem>>
          tpu.wait_dma2 semaphore(%dma_wait3A_171 : memref<!tpu.dma_semaphore, #tpu.memory_space<semaphore_mem>>) src(%dma_wait3A_177 : memref<80x64xf32, #tpu.memory_space<vmem>>) dst(%dma_wait3A_173 : memref<80x64xf32, #tpu.memory_space<hbm>>)
        } else {
        }
        %jit3A_115 = arith.constant 8 : i32
        %eq3A_116 = arith.constant 0 : i32
        %eq3A_117 = arith.cmpi eq, %jit3A_115, %eq3A_116 : i32
        %jit3A_118 = arith.constant 1 : i32
        %select_n3A_119 = arith.select %eq3A_117, %jit3A_118, %jit3A_115 : i32
        %rem3A_120 = arith.remsi %add3A_107, %select_n3A_119 : i32
        %ne3A_121 = arith.constant 0 : i32
        %ne3A_122 = arith.cmpi ne, %rem3A_120, %ne3A_121 : i32
        %lt3A_123 = arith.constant 0 : i32
        %lt3A_124 = arith.cmpi slt, %rem3A_120, %lt3A_123 : i32
        %lt3A_125 = arith.constant 0 : i32
        %lt3A_126 = arith.cmpi slt, %select_n3A_119, %lt3A_125 : i32
        %ne3A_127 = arith.xori %lt3A_124, %lt3A_126 : i1
        %and3A_128 = arith.andi %ne3A_127, %ne3A_122 : i1
        %add3A_129 = arith.addi %rem3A_120, %select_n3A_119 : i32
        %select_n3A_130 = arith.select %and3A_128, %add3A_129, %rem3A_120 : i32
        %mul3A_131 = arith.constant 80 : i32
        %mul3A_132 = arith.muli %add3A_107, %mul3A_131 : i32
        %dma_start3A_133 = arith.constant 0 : i32
        %dma_start3A_134 = arith.constant 0 : i32
        %dma_start3A_135 = tpu.memref_slice %arg10[%select_n3A_130, %dma_start3A_133, %dma_start3A_134] : memref<8x80x64xf32, #tpu.memory_space<vmem>> -> memref<1x80x64xf32, #tpu.memory_space<vmem>>
        %dma_start3A_136 = tpu.memref_squeeze %dma_start3A_135 : memref<1x80x64xf32, #tpu.memory_space<vmem>> -> memref<80x64xf32, #tpu.memory_space<vmem>>
        %dma_start3A_137 = tpu.memref_slice %arg9[%mul3A_132] : memref<32000xi32, #tpu.memory_space<vmem>> -> memref<80xi32, #tpu.memory_space<vmem>>
        %dma_start3A_138 = arith.constant 0 : i32
        %dma_start3A_139 = arith.constant 0 : i32
        %dma_start3A_140 = tpu.memref_slice %arg2[%dma_start3A_138, %dma_start3A_139] : memref<100000x64xf32, #tpu.memory_space<hbm>> -> memref<100000x64xf32, #tpu.memory_space<hbm>>
        %dma_start3A_141 = tpu.memref_slice %arg11[%select_n3A_130] : memref<8x!tpu.dma_semaphore, #tpu.memory_space<semaphore_mem>> -> memref<1x!tpu.dma_semaphore, #tpu.memory_space<semaphore_mem>>
        %dma_start3A_142 = tpu.memref_squeeze %dma_start3A_141 : memref<1x!tpu.dma_semaphore, #tpu.memory_space<semaphore_mem>> -> memref<!tpu.dma_semaphore, #tpu.memory_space<semaphore_mem>>
        tpu.enqueue_indirect_dma source(%dma_start3A_140 : memref<100000x64xf32, #tpu.memory_space<hbm>>) target(%dma_start3A_136 : memref<80x64xf32, #tpu.memory_space<vmem>>) offsets(%dma_start3A_137 : memref<80xi32, #tpu.memory_space<vmem>>) semaphore(%dma_start3A_142 : memref<!tpu.dma_semaphore, #tpu.memory_space<semaphore_mem>>)
      } else {
      }
    }
    %scan3A_15 = arith.constant 20 : i32
    %scan3A_16 = arith.constant 0 : i32
    %scan3A_17 = arith.constant 12 : i32
    %scan3A_18 = arith.constant 8 : i32
    %scan3A_19 = arith.addi %scan3A_17, %scan3A_18 : i32
    %scan3A_20 = arith.constant 1 : i32
    scf.for %scan3A_68 = %scan3A_17 to %scan3A_19 step %scan3A_20  : i32 {
      %jit3A = arith.constant 8 : i32
      %eq3A = arith.constant 0 : i32
      %eq3A_69 = arith.cmpi eq, %jit3A, %eq3A : i32
      %jit3A_70 = arith.constant 1 : i32
      %select_n3A = arith.select %eq3A_69, %jit3A_70, %jit3A : i32
      %rem3A = arith.remsi %scan3A_68, %select_n3A : i32
      %ne3A = arith.constant 0 : i32
      %ne3A_71 = arith.cmpi ne, %rem3A, %ne3A : i32
      %lt3A = arith.constant 0 : i32
      %lt3A_72 = arith.cmpi slt, %rem3A, %lt3A : i32
      %lt3A_73 = arith.constant 0 : i32
      %lt3A_74 = arith.cmpi slt, %select_n3A, %lt3A_73 : i32
      %ne3A_75 = arith.xori %lt3A_72, %lt3A_74 : i1
      %and3A = arith.andi %ne3A_75, %ne3A_71 : i1
      %add3A_76 = arith.addi %rem3A, %select_n3A : i32
      %select_n3A_77 = arith.select %and3A, %add3A_76, %rem3A : i32
      %add3A_78 = arith.addi %mul3A_2, %scan3A_68 : i32
      %mul3A_79 = arith.constant 80 : i32
      %mul3A_80 = arith.muli %add3A_78, %mul3A_79 : i32
      %multiple_of3A_81 = tpu.assume_multiple %mul3A_80, 8 : i32
      %dma_wait3A = arith.constant 0 : i32
      %dma_wait3A_82 = arith.constant 0 : i32
      %dma_wait3A_83 = tpu.memref_slice %arg10[%select_n3A_77, %dma_wait3A, %dma_wait3A_82] : memref<8x80x64xf32, #tpu.memory_space<vmem>> -> memref<1x80x64xf32, #tpu.memory_space<vmem>>
      %dma_wait3A_84 = tpu.memref_squeeze %dma_wait3A_83 : memref<1x80x64xf32, #tpu.memory_space<vmem>> -> memref<80x64xf32, #tpu.memory_space<vmem>>
      %dma_wait3A_85 = arith.constant 0 : i32
      %dma_wait3A_86 = tpu.memref_slice %arg6[%multiple_of3A_81, %dma_wait3A_85] : memref<51200x64xf32, #tpu.memory_space<hbm>> -> memref<80x64xf32, #tpu.memory_space<hbm>>
      %dma_wait3A_87 = tpu.memref_slice %arg12[%select_n3A_77] : memref<8x!tpu.dma_semaphore, #tpu.memory_space<semaphore_mem>> -> memref<1x!tpu.dma_semaphore, #tpu.memory_space<semaphore_mem>>
      %dma_wait3A_88 = tpu.memref_squeeze %dma_wait3A_87 : memref<1x!tpu.dma_semaphore, #tpu.memory_space<semaphore_mem>> -> memref<!tpu.dma_semaphore, #tpu.memory_space<semaphore_mem>>
      %dma_wait3A_89 = arith.constant 0 : i32
      %dma_wait3A_90 = tpu.memref_slice %arg6[%multiple_of3A_81, %dma_wait3A_89] : memref<51200x64xf32, #tpu.memory_space<hbm>> -> memref<80x64xf32, #tpu.memory_space<hbm>>
      %dma_wait3A_91 = arith.constant 0 : i32
      %dma_wait3A_92 = arith.constant 0 : i32
      %dma_wait3A_93 = tpu.memref_slice %arg10[%select_n3A_77, %dma_wait3A_91, %dma_wait3A_92] : memref<8x80x64xf32, #tpu.memory_space<vmem>> -> memref<1x80x64xf32, #tpu.memory_space<vmem>>
      %dma_wait3A_94 = tpu.memref_squeeze %dma_wait3A_93 : memref<1x80x64xf32, #tpu.memory_space<vmem>> -> memref<80x64xf32, #tpu.memory_space<vmem>>
      tpu.wait_dma2 semaphore(%dma_wait3A_88 : memref<!tpu.dma_semaphore, #tpu.memory_space<semaphore_mem>>) src(%dma_wait3A_94 : memref<80x64xf32, #tpu.memory_space<vmem>>) dst(%dma_wait3A_90 : memref<80x64xf32, #tpu.memory_space<hbm>>)
    }
    %scan3A_21 = arith.constant 8 : i32
    %mul3A_22 = arith.constant 400 : i32
    %mul3A_23 = arith.muli %add3A, %mul3A_22 : i32
    %mul3A_24 = arith.constant 80 : i32
    %mul3A_25 = arith.muli %mul3A_23, %mul3A_24 : i32
    %multiple_of3A_26 = tpu.assume_multiple %mul3A_25, 8 : i32
    "tpu.region"() ({
      %run_scoped3A = tpu.sem_alloc : memref<!tpu.dma_semaphore, #tpu.memory_space<semaphore_mem>>
      %dma_start3A = arith.constant 0 : i32
      %dma_start3A_68 = tpu.memref_slice %arg9[%dma_start3A] : memref<32000xi32, #tpu.memory_space<vmem>> -> memref<32000xi32, #tpu.memory_space<vmem>>
      %dma_start3A_69 = tpu.memref_slice %arg4[%multiple_of3A_26] : memref<1024000xi32, #tpu.memory_space<hbm>> -> memref<32000xi32, #tpu.memory_space<hbm>>
      %dma_start3A_70 = arith.constant 0 : i32
      %dma_start3A_71 = tpu.memref_slice %arg9[%dma_start3A_70] : memref<32000xi32, #tpu.memory_space<vmem>> -> memref<32000xi32, #tpu.memory_space<vmem>>
      %dma_start3A_72 = tpu.memref_slice %arg4[%multiple_of3A_26] : memref<1024000xi32, #tpu.memory_space<hbm>> -> memref<32000xi32, #tpu.memory_space<hbm>>
      tpu.enqueue_dma source(%dma_start3A_72 : memref<32000xi32, #tpu.memory_space<hbm>>) target(%dma_start3A_71 : memref<32000xi32, #tpu.memory_space<vmem>>) target_semaphore(%run_scoped3A : memref<!tpu.dma_semaphore, #tpu.memory_space<semaphore_mem>>)
      %dma_wait3A = arith.constant 0 : i32
      %dma_wait3A_73 = tpu.memref_slice %arg9[%dma_wait3A] : memref<32000xi32, #tpu.memory_space<vmem>> -> memref<32000xi32, #tpu.memory_space<vmem>>
      %dma_wait3A_74 = tpu.memref_slice %arg4[%multiple_of3A_26] : memref<1024000xi32, #tpu.memory_space<hbm>> -> memref<32000xi32, #tpu.memory_space<hbm>>
      %dma_wait3A_75 = arith.constant 0 : i32
      %dma_wait3A_76 = tpu.memref_slice %arg9[%dma_wait3A_75] : memref<32000xi32, #tpu.memory_space<vmem>> -> memref<32000xi32, #tpu.memory_space<vmem>>
      %dma_wait3A_77 = tpu.memref_slice %arg4[%multiple_of3A_26] : memref<1024000xi32, #tpu.memory_space<hbm>> -> memref<32000xi32, #tpu.memory_space<hbm>>
      tpu.wait_dma2 semaphore(%run_scoped3A : memref<!tpu.dma_semaphore, #tpu.memory_space<semaphore_mem>>) src(%dma_wait3A_77 : memref<32000xi32, #tpu.memory_space<hbm>>) dst(%dma_wait3A_76 : memref<32000xi32, #tpu.memory_space<vmem>>)
      tpu.yield
    }) : () -> ()
    %scan3A_27 = arith.constant 0 : i32
    %scan3A_28 = arith.constant 0 : i32
    %scan3A_29 = arith.constant 4 : i32
    %scan3A_30 = arith.addi %scan3A_28, %scan3A_29 : i32
    %scan3A_31 = arith.constant 1 : i32
    scf.for %scan3A_68 = %scan3A_28 to %scan3A_30 step %scan3A_31  : i32 {
      %jit3A = arith.constant 8 : i32
      %eq3A = arith.constant 0 : i32
      %eq3A_69 = arith.cmpi eq, %jit3A, %eq3A : i32
      %jit3A_70 = arith.constant 1 : i32
      %select_n3A = arith.select %eq3A_69, %jit3A_70, %jit3A : i32
      %rem3A = arith.remsi %scan3A_68, %select_n3A : i32
      %ne3A = arith.constant 0 : i32
      %ne3A_71 = arith.cmpi ne, %rem3A, %ne3A : i32
      %lt3A = arith.constant 0 : i32
      %lt3A_72 = arith.cmpi slt, %rem3A, %lt3A : i32
      %lt3A_73 = arith.constant 0 : i32
      %lt3A_74 = arith.cmpi slt, %select_n3A, %lt3A_73 : i32
      %ne3A_75 = arith.xori %lt3A_72, %lt3A_74 : i1
      %and3A = arith.andi %ne3A_75, %ne3A_71 : i1
      %add3A_76 = arith.addi %rem3A, %select_n3A : i32
      %select_n3A_77 = arith.select %and3A, %add3A_76, %rem3A : i32
      %mul3A_78 = arith.constant 80 : i32
      %mul3A_79 = arith.muli %scan3A_68, %mul3A_78 : i32
      %dma_start3A = arith.constant 0 : i32
      %dma_start3A_80 = arith.constant 0 : i32
      %dma_start3A_81 = tpu.memref_slice %arg10[%select_n3A_77, %dma_start3A, %dma_start3A_80] : memref<8x80x64xf32, #tpu.memory_space<vmem>> -> memref<1x80x64xf32, #tpu.memory_space<vmem>>
      %dma_start3A_82 = tpu.memref_squeeze %dma_start3A_81 : memref<1x80x64xf32, #tpu.memory_space<vmem>> -> memref<80x64xf32, #tpu.memory_space<vmem>>
      %dma_start3A_83 = tpu.memref_slice %arg9[%mul3A_79] : memref<32000xi32, #tpu.memory_space<vmem>> -> memref<80xi32, #tpu.memory_space<vmem>>
      %dma_start3A_84 = arith.constant 0 : i32
      %dma_start3A_85 = arith.constant 0 : i32
      %dma_start3A_86 = tpu.memref_slice %arg2[%dma_start3A_84, %dma_start3A_85] : memref<100000x64xf32, #tpu.memory_space<hbm>> -> memref<100000x64xf32, #tpu.memory_space<hbm>>
      %dma_start3A_87 = tpu.memref_slice %arg11[%select_n3A_77] : memref<8x!tpu.dma_semaphore, #tpu.memory_space<semaphore_mem>> -> memref<1x!tpu.dma_semaphore, #tpu.memory_space<semaphore_mem>>
      %dma_start3A_88 = tpu.memref_squeeze %dma_start3A_87 : memref<1x!tpu.dma_semaphore, #tpu.memory_space<semaphore_mem>> -> memref<!tpu.dma_semaphore, #tpu.memory_space<semaphore_mem>>
      tpu.enqueue_indirect_dma source(%dma_start3A_86 : memref<100000x64xf32, #tpu.memory_space<hbm>>) target(%dma_start3A_82 : memref<80x64xf32, #tpu.memory_space<vmem>>) offsets(%dma_start3A_83 : memref<80xi32, #tpu.memory_space<vmem>>) semaphore(%dma_start3A_88 : memref<!tpu.dma_semaphore, #tpu.memory_space<semaphore_mem>>)
    }
    %scan3A_32 = arith.constant 4 : i32
    %scan3A_33 = arith.constant 0 : i32
    %scan3A_34 = arith.constant 0 : i32
    %scan3A_35 = arith.constant 400 : i32
    %scan3A_36 = arith.addi %scan3A_34, %scan3A_35 : i32
    %scan3A_37 = arith.constant 1 : i32
    scf.for %scan3A_68 = %scan3A_34 to %scan3A_36 step %scan3A_37  : i32 {
      %jit3A = arith.constant 8 : i32
      %eq3A = arith.constant 0 : i32
      %eq3A_69 = arith.cmpi eq, %jit3A, %eq3A : i32
      %jit3A_70 = arith.constant 1 : i32
      %select_n3A = arith.select %eq3A_69, %jit3A_70, %jit3A : i32
      %rem3A = arith.remsi %scan3A_68, %select_n3A : i32
      %ne3A = arith.constant 0 : i32
      %ne3A_71 = arith.cmpi ne, %rem3A, %ne3A : i32
      %lt3A = arith.constant 0 : i32
      %lt3A_72 = arith.cmpi slt, %rem3A, %lt3A : i32
      %lt3A_73 = arith.constant 0 : i32
      %lt3A_74 = arith.cmpi slt, %select_n3A, %lt3A_73 : i32
      %ne3A_75 = arith.xori %lt3A_72, %lt3A_74 : i1
      %and3A = arith.andi %ne3A_75, %ne3A_71 : i1
      %add3A_76 = arith.addi %rem3A, %select_n3A : i32
      %select_n3A_77 = arith.select %and3A, %add3A_76, %rem3A : i32
      %mul3A_78 = arith.constant 80 : i32
      %mul3A_79 = arith.muli %scan3A_68, %mul3A_78 : i32
      %dma_wait3A = arith.constant 0 : i32
      %dma_wait3A_80 = arith.constant 0 : i32
      %dma_wait3A_81 = tpu.memref_slice %arg10[%select_n3A_77, %dma_wait3A, %dma_wait3A_80] : memref<8x80x64xf32, #tpu.memory_space<vmem>> -> memref<1x80x64xf32, #tpu.memory_space<vmem>>
      %dma_wait3A_82 = tpu.memref_squeeze %dma_wait3A_81 : memref<1x80x64xf32, #tpu.memory_space<vmem>> -> memref<80x64xf32, #tpu.memory_space<vmem>>
      %dma_wait3A_83 = tpu.memref_slice %arg9[%mul3A_79] : memref<32000xi32, #tpu.memory_space<vmem>> -> memref<80xi32, #tpu.memory_space<vmem>>
      %dma_wait3A_84 = arith.constant 0 : i32
      %dma_wait3A_85 = arith.constant 0 : i32
      %dma_wait3A_86 = tpu.memref_slice %arg2[%dma_wait3A_84, %dma_wait3A_85] : memref<100000x64xf32, #tpu.memory_space<hbm>> -> memref<100000x64xf32, #tpu.memory_space<hbm>>
      %dma_wait3A_87 = tpu.memref_slice %arg11[%select_n3A_77] : memref<8x!tpu.dma_semaphore, #tpu.memory_space<semaphore_mem>> -> memref<1x!tpu.dma_semaphore, #tpu.memory_space<semaphore_mem>>
      %dma_wait3A_88 = tpu.memref_squeeze %dma_wait3A_87 : memref<1x!tpu.dma_semaphore, #tpu.memory_space<semaphore_mem>> -> memref<!tpu.dma_semaphore, #tpu.memory_space<semaphore_mem>>
      tpu.wait_indirect_dma semaphore(%dma_wait3A_88 : memref<!tpu.dma_semaphore, #tpu.memory_space<semaphore_mem>>) src(%dma_wait3A_86 : memref<100000x64xf32, #tpu.memory_space<hbm>>) dst(%dma_wait3A_82 : memref<80x64xf32, #tpu.memory_space<vmem>>)
      %add3A_89 = arith.addi %mul3A_23, %scan3A_68 : i32
      %mul3A_90 = arith.constant 80 : i32
      %mul3A_91 = arith.muli %add3A_89, %mul3A_90 : i32
      %multiple_of3A_92 = tpu.assume_multiple %mul3A_91, 8 : i32
      %dma_start3A = arith.constant 0 : i32
      %dma_start3A_93 = arith.constant 0 : i32
      %dma_start3A_94 = tpu.memref_slice %arg10[%select_n3A_77, %dma_start3A, %dma_start3A_93] : memref<8x80x64xf32, #tpu.memory_space<vmem>> -> memref<1x80x64xf32, #tpu.memory_space<vmem>>
      %dma_start3A_95 = tpu.memref_squeeze %dma_start3A_94 : memref<1x80x64xf32, #tpu.memory_space<vmem>> -> memref<80x64xf32, #tpu.memory_space<vmem>>
      %dma_start3A_96 = arith.constant 0 : i32
      %dma_start3A_97 = tpu.memref_slice %arg7[%multiple_of3A_92, %dma_start3A_96] : memref<1024000x64xf32, #tpu.memory_space<hbm>> -> memref<80x64xf32, #tpu.memory_space<hbm>>
      %dma_start3A_98 = tpu.memref_slice %arg12[%select_n3A_77] : memref<8x!tpu.dma_semaphore, #tpu.memory_space<semaphore_mem>> -> memref<1x!tpu.dma_semaphore, #tpu.memory_space<semaphore_mem>>
      %dma_start3A_99 = tpu.memref_squeeze %dma_start3A_98 : memref<1x!tpu.dma_semaphore, #tpu.memory_space<semaphore_mem>> -> memref<!tpu.dma_semaphore, #tpu.memory_space<semaphore_mem>>
      %dma_start3A_100 = arith.constant 0 : i32
      %dma_start3A_101 = tpu.memref_slice %arg7[%multiple_of3A_92, %dma_start3A_100] : memref<1024000x64xf32, #tpu.memory_space<hbm>> -> memref<80x64xf32, #tpu.memory_space<hbm>>
      %dma_start3A_102 = arith.constant 0 : i32
      %dma_start3A_103 = arith.constant 0 : i32
      %dma_start3A_104 = tpu.memref_slice %arg10[%select_n3A_77, %dma_start3A_102, %dma_start3A_103] : memref<8x80x64xf32, #tpu.memory_space<vmem>> -> memref<1x80x64xf32, #tpu.memory_space<vmem>>
      %dma_start3A_105 = tpu.memref_squeeze %dma_start3A_104 : memref<1x80x64xf32, #tpu.memory_space<vmem>> -> memref<80x64xf32, #tpu.memory_space<vmem>>
      tpu.enqueue_dma source(%dma_start3A_105 : memref<80x64xf32, #tpu.memory_space<vmem>>) target(%dma_start3A_101 : memref<80x64xf32, #tpu.memory_space<hbm>>) target_semaphore(%dma_start3A_99 : memref<!tpu.dma_semaphore, #tpu.memory_space<semaphore_mem>>)
      %add3A_106 = arith.constant 4 : i32
      %add3A_107 = arith.addi %scan3A_68, %add3A_106 : i32
      %lt3A_108 = arith.constant 400 : i32
      %lt3A_109 = arith.cmpi slt, %add3A_107, %lt3A_108 : i32
      %convert_element_type3A = arith.extui %lt3A_109 : i1 to i32
      %cond3A = arith.constant 0 : i32
      %cond3A_110 = arith.cmpi ne, %convert_element_type3A, %cond3A : i32
      scf.if %cond3A_110 {
        %ge3A = arith.constant 8 : i32
        %ge3A_111 = arith.cmpi sge, %add3A_107, %ge3A : i32
        %convert_element_type3A_112 = arith.extui %ge3A_111 : i1 to i32
        %cond3A_113 = arith.constant 0 : i32
        %cond3A_114 = arith.cmpi ne, %convert_element_type3A_112, %cond3A_113 : i32
        scf.if %cond3A_114 {
          %sub3A = arith.constant 8 : i32
          %sub3A_143 = arith.subi %add3A_107, %sub3A : i32
          %jit3A_144 = arith.constant 8 : i32
          %eq3A_145 = arith.constant 0 : i32
          %eq3A_146 = arith.cmpi eq, %jit3A_144, %eq3A_145 : i32
          %jit3A_147 = arith.constant 1 : i32
          %select_n3A_148 = arith.select %eq3A_146, %jit3A_147, %jit3A_144 : i32
          %rem3A_149 = arith.remsi %add3A_107, %select_n3A_148 : i32
          %ne3A_150 = arith.constant 0 : i32
          %ne3A_151 = arith.cmpi ne, %rem3A_149, %ne3A_150 : i32
          %lt3A_152 = arith.constant 0 : i32
          %lt3A_153 = arith.cmpi slt, %rem3A_149, %lt3A_152 : i32
          %lt3A_154 = arith.constant 0 : i32
          %lt3A_155 = arith.cmpi slt, %select_n3A_148, %lt3A_154 : i32
          %ne3A_156 = arith.xori %lt3A_153, %lt3A_155 : i1
          %and3A_157 = arith.andi %ne3A_156, %ne3A_151 : i1
          %add3A_158 = arith.addi %rem3A_149, %select_n3A_148 : i32
          %select_n3A_159 = arith.select %and3A_157, %add3A_158, %rem3A_149 : i32
          %add3A_160 = arith.addi %mul3A_23, %sub3A_143 : i32
          %mul3A_161 = arith.constant 80 : i32
          %mul3A_162 = arith.muli %add3A_160, %mul3A_161 : i32
          %multiple_of3A_163 = tpu.assume_multiple %mul3A_162, 8 : i32
          %dma_wait3A_164 = arith.constant 0 : i32
          %dma_wait3A_165 = arith.constant 0 : i32
          %dma_wait3A_166 = tpu.memref_slice %arg10[%select_n3A_159, %dma_wait3A_164, %dma_wait3A_165] : memref<8x80x64xf32, #tpu.memory_space<vmem>> -> memref<1x80x64xf32, #tpu.memory_space<vmem>>
          %dma_wait3A_167 = tpu.memref_squeeze %dma_wait3A_166 : memref<1x80x64xf32, #tpu.memory_space<vmem>> -> memref<80x64xf32, #tpu.memory_space<vmem>>
          %dma_wait3A_168 = arith.constant 0 : i32
          %dma_wait3A_169 = tpu.memref_slice %arg7[%multiple_of3A_163, %dma_wait3A_168] : memref<1024000x64xf32, #tpu.memory_space<hbm>> -> memref<80x64xf32, #tpu.memory_space<hbm>>
          %dma_wait3A_170 = tpu.memref_slice %arg12[%select_n3A_159] : memref<8x!tpu.dma_semaphore, #tpu.memory_space<semaphore_mem>> -> memref<1x!tpu.dma_semaphore, #tpu.memory_space<semaphore_mem>>
          %dma_wait3A_171 = tpu.memref_squeeze %dma_wait3A_170 : memref<1x!tpu.dma_semaphore, #tpu.memory_space<semaphore_mem>> -> memref<!tpu.dma_semaphore, #tpu.memory_space<semaphore_mem>>
          %dma_wait3A_172 = arith.constant 0 : i32
          %dma_wait3A_173 = tpu.memref_slice %arg7[%multiple_of3A_163, %dma_wait3A_172] : memref<1024000x64xf32, #tpu.memory_space<hbm>> -> memref<80x64xf32, #tpu.memory_space<hbm>>
          %dma_wait3A_174 = arith.constant 0 : i32
          %dma_wait3A_175 = arith.constant 0 : i32
          %dma_wait3A_176 = tpu.memref_slice %arg10[%select_n3A_159, %dma_wait3A_174, %dma_wait3A_175] : memref<8x80x64xf32, #tpu.memory_space<vmem>> -> memref<1x80x64xf32, #tpu.memory_space<vmem>>
          %dma_wait3A_177 = tpu.memref_squeeze %dma_wait3A_176 : memref<1x80x64xf32, #tpu.memory_space<vmem>> -> memref<80x64xf32, #tpu.memory_space<vmem>>
          tpu.wait_dma2 semaphore(%dma_wait3A_171 : memref<!tpu.dma_semaphore, #tpu.memory_space<semaphore_mem>>) src(%dma_wait3A_177 : memref<80x64xf32, #tpu.memory_space<vmem>>) dst(%dma_wait3A_173 : memref<80x64xf32, #tpu.memory_space<hbm>>)
        } else {
        }
        %jit3A_115 = arith.constant 8 : i32
        %eq3A_116 = arith.constant 0 : i32
        %eq3A_117 = arith.cmpi eq, %jit3A_115, %eq3A_116 : i32
        %jit3A_118 = arith.constant 1 : i32
        %select_n3A_119 = arith.select %eq3A_117, %jit3A_118, %jit3A_115 : i32
        %rem3A_120 = arith.remsi %add3A_107, %select_n3A_119 : i32
        %ne3A_121 = arith.constant 0 : i32
        %ne3A_122 = arith.cmpi ne, %rem3A_120, %ne3A_121 : i32
        %lt3A_123 = arith.constant 0 : i32
        %lt3A_124 = arith.cmpi slt, %rem3A_120, %lt3A_123 : i32
        %lt3A_125 = arith.constant 0 : i32
        %lt3A_126 = arith.cmpi slt, %select_n3A_119, %lt3A_125 : i32
        %ne3A_127 = arith.xori %lt3A_124, %lt3A_126 : i1
        %and3A_128 = arith.andi %ne3A_127, %ne3A_122 : i1
        %add3A_129 = arith.addi %rem3A_120, %select_n3A_119 : i32
        %select_n3A_130 = arith.select %and3A_128, %add3A_129, %rem3A_120 : i32
        %mul3A_131 = arith.constant 80 : i32
        %mul3A_132 = arith.muli %add3A_107, %mul3A_131 : i32
        %dma_start3A_133 = arith.constant 0 : i32
        %dma_start3A_134 = arith.constant 0 : i32
        %dma_start3A_135 = tpu.memref_slice %arg10[%select_n3A_130, %dma_start3A_133, %dma_start3A_134] : memref<8x80x64xf32, #tpu.memory_space<vmem>> -> memref<1x80x64xf32, #tpu.memory_space<vmem>>
        %dma_start3A_136 = tpu.memref_squeeze %dma_start3A_135 : memref<1x80x64xf32, #tpu.memory_space<vmem>> -> memref<80x64xf32, #tpu.memory_space<vmem>>
        %dma_start3A_137 = tpu.memref_slice %arg9[%mul3A_132] : memref<32000xi32, #tpu.memory_space<vmem>> -> memref<80xi32, #tpu.memory_space<vmem>>
        %dma_start3A_138 = arith.constant 0 : i32
        %dma_start3A_139 = arith.constant 0 : i32
        %dma_start3A_140 = tpu.memref_slice %arg2[%dma_start3A_138, %dma_start3A_139] : memref<100000x64xf32, #tpu.memory_space<hbm>> -> memref<100000x64xf32, #tpu.memory_space<hbm>>
        %dma_start3A_141 = tpu.memref_slice %arg11[%select_n3A_130] : memref<8x!tpu.dma_semaphore, #tpu.memory_space<semaphore_mem>> -> memref<1x!tpu.dma_semaphore, #tpu.memory_space<semaphore_mem>>
        %dma_start3A_142 = tpu.memref_squeeze %dma_start3A_141 : memref<1x!tpu.dma_semaphore, #tpu.memory_space<semaphore_mem>> -> memref<!tpu.dma_semaphore, #tpu.memory_space<semaphore_mem>>
        tpu.enqueue_indirect_dma source(%dma_start3A_140 : memref<100000x64xf32, #tpu.memory_space<hbm>>) target(%dma_start3A_136 : memref<80x64xf32, #tpu.memory_space<vmem>>) offsets(%dma_start3A_137 : memref<80xi32, #tpu.memory_space<vmem>>) semaphore(%dma_start3A_142 : memref<!tpu.dma_semaphore, #tpu.memory_space<semaphore_mem>>)
      } else {
      }
    }
    %scan3A_38 = arith.constant 400 : i32
    %scan3A_39 = arith.constant 0 : i32
    %scan3A_40 = arith.constant 392 : i32
    %scan3A_41 = arith.constant 8 : i32
    %scan3A_42 = arith.addi %scan3A_40, %scan3A_41 : i32
    %scan3A_43 = arith.constant 1 : i32
    scf.for %scan3A_68 = %scan3A_40 to %scan3A_42 step %scan3A_43  : i32 {
      %jit3A = arith.constant 8 : i32
      %eq3A = arith.constant 0 : i32
      %eq3A_69 = arith.cmpi eq, %jit3A, %eq3A : i32
      %jit3A_70 = arith.constant 1 : i32
      %select_n3A = arith.select %eq3A_69, %jit3A_70, %jit3A : i32
      %rem3A = arith.remsi %scan3A_68, %select_n3A : i32
      %ne3A = arith.constant 0 : i32
      %ne3A_71 = arith.cmpi ne, %rem3A, %ne3A : i32
      %lt3A = arith.constant 0 : i32
      %lt3A_72 = arith.cmpi slt, %rem3A, %lt3A : i32
      %lt3A_73 = arith.constant 0 : i32
      %lt3A_74 = arith.cmpi slt, %select_n3A, %lt3A_73 : i32
      %ne3A_75 = arith.xori %lt3A_72, %lt3A_74 : i1
      %and3A = arith.andi %ne3A_75, %ne3A_71 : i1
      %add3A_76 = arith.addi %rem3A, %select_n3A : i32
      %select_n3A_77 = arith.select %and3A, %add3A_76, %rem3A : i32
      %add3A_78 = arith.addi %mul3A_23, %scan3A_68 : i32
      %mul3A_79 = arith.constant 80 : i32
      %mul3A_80 = arith.muli %add3A_78, %mul3A_79 : i32
      %multiple_of3A_81 = tpu.assume_multiple %mul3A_80, 8 : i32
      %dma_wait3A = arith.constant 0 : i32
      %dma_wait3A_82 = arith.constant 0 : i32
      %dma_wait3A_83 = tpu.memref_slice %arg10[%select_n3A_77, %dma_wait3A, %dma_wait3A_82] : memref<8x80x64xf32, #tpu.memory_space<vmem>> -> memref<1x80x64xf32, #tpu.memory_space<vmem>>
      %dma_wait3A_84 = tpu.memref_squeeze %dma_wait3A_83 : memref<1x80x64xf32, #tpu.memory_space<vmem>> -> memref<80x64xf32, #tpu.memory_space<vmem>>
      %dma_wait3A_85 = arith.constant 0 : i32
      %dma_wait3A_86 = tpu.memref_slice %arg7[%multiple_of3A_81, %dma_wait3A_85] : memref<1024000x64xf32, #tpu.memory_space<hbm>> -> memref<80x64xf32, #tpu.memory_space<hbm>>
      %dma_wait3A_87 = tpu.memref_slice %arg12[%select_n3A_77] : memref<8x!tpu.dma_semaphore, #tpu.memory_space<semaphore_mem>> -> memref<1x!tpu.dma_semaphore, #tpu.memory_space<semaphore_mem>>
      %dma_wait3A_88 = tpu.memref_squeeze %dma_wait3A_87 : memref<1x!tpu.dma_semaphore, #tpu.memory_space<semaphore_mem>> -> memref<!tpu.dma_semaphore, #tpu.memory_space<semaphore_mem>>
      %dma_wait3A_89 = arith.constant 0 : i32
      %dma_wait3A_90 = tpu.memref_slice %arg7[%multiple_of3A_81, %dma_wait3A_89] : memref<1024000x64xf32, #tpu.memory_space<hbm>> -> memref<80x64xf32, #tpu.memory_space<hbm>>
      %dma_wait3A_91 = arith.constant 0 : i32
      %dma_wait3A_92 = arith.constant 0 : i32
      %dma_wait3A_93 = tpu.memref_slice %arg10[%select_n3A_77, %dma_wait3A_91, %dma_wait3A_92] : memref<8x80x64xf32, #tpu.memory_space<vmem>> -> memref<1x80x64xf32, #tpu.memory_space<vmem>>
      %dma_wait3A_94 = tpu.memref_squeeze %dma_wait3A_93 : memref<1x80x64xf32, #tpu.memory_space<vmem>> -> memref<80x64xf32, #tpu.memory_space<vmem>>
      tpu.wait_dma2 semaphore(%dma_wait3A_88 : memref<!tpu.dma_semaphore, #tpu.memory_space<semaphore_mem>>) src(%dma_wait3A_94 : memref<80x64xf32, #tpu.memory_space<vmem>>) dst(%dma_wait3A_90 : memref<80x64xf32, #tpu.memory_space<hbm>>)
    }
    %scan3A_44 = arith.constant 8 : i32
    %mul3A_45 = arith.constant 400 : i32
    %mul3A_46 = arith.muli %add3A, %mul3A_45 : i32
    %mul3A_47 = arith.constant 80 : i32
    %mul3A_48 = arith.muli %mul3A_46, %mul3A_47 : i32
    %multiple_of3A_49 = tpu.assume_multiple %mul3A_48, 8 : i32
    "tpu.region"() ({
      %run_scoped3A = tpu.sem_alloc : memref<!tpu.dma_semaphore, #tpu.memory_space<semaphore_mem>>
      %dma_start3A = arith.constant 0 : i32
      %dma_start3A_68 = tpu.memref_slice %arg9[%dma_start3A] : memref<32000xi32, #tpu.memory_space<vmem>> -> memref<32000xi32, #tpu.memory_space<vmem>>
      %dma_start3A_69 = tpu.memref_slice %arg5[%multiple_of3A_49] : memref<1024000xi32, #tpu.memory_space<hbm>> -> memref<32000xi32, #tpu.memory_space<hbm>>
      %dma_start3A_70 = arith.constant 0 : i32
      %dma_start3A_71 = tpu.memref_slice %arg9[%dma_start3A_70] : memref<32000xi32, #tpu.memory_space<vmem>> -> memref<32000xi32, #tpu.memory_space<vmem>>
      %dma_start3A_72 = tpu.memref_slice %arg5[%multiple_of3A_49] : memref<1024000xi32, #tpu.memory_space<hbm>> -> memref<32000xi32, #tpu.memory_space<hbm>>
      tpu.enqueue_dma source(%dma_start3A_72 : memref<32000xi32, #tpu.memory_space<hbm>>) target(%dma_start3A_71 : memref<32000xi32, #tpu.memory_space<vmem>>) target_semaphore(%run_scoped3A : memref<!tpu.dma_semaphore, #tpu.memory_space<semaphore_mem>>)
      %dma_wait3A = arith.constant 0 : i32
      %dma_wait3A_73 = tpu.memref_slice %arg9[%dma_wait3A] : memref<32000xi32, #tpu.memory_space<vmem>> -> memref<32000xi32, #tpu.memory_space<vmem>>
      %dma_wait3A_74 = tpu.memref_slice %arg5[%multiple_of3A_49] : memref<1024000xi32, #tpu.memory_space<hbm>> -> memref<32000xi32, #tpu.memory_space<hbm>>
      %dma_wait3A_75 = arith.constant 0 : i32
      %dma_wait3A_76 = tpu.memref_slice %arg9[%dma_wait3A_75] : memref<32000xi32, #tpu.memory_space<vmem>> -> memref<32000xi32, #tpu.memory_space<vmem>>
      %dma_wait3A_77 = tpu.memref_slice %arg5[%multiple_of3A_49] : memref<1024000xi32, #tpu.memory_space<hbm>> -> memref<32000xi32, #tpu.memory_space<hbm>>
      tpu.wait_dma2 semaphore(%run_scoped3A : memref<!tpu.dma_semaphore, #tpu.memory_space<semaphore_mem>>) src(%dma_wait3A_77 : memref<32000xi32, #tpu.memory_space<hbm>>) dst(%dma_wait3A_76 : memref<32000xi32, #tpu.memory_space<vmem>>)
      tpu.yield
    }) : () -> ()
    %scan3A_50 = arith.constant 0 : i32
    %scan3A_51 = arith.constant 0 : i32
    %scan3A_52 = arith.constant 4 : i32
    %scan3A_53 = arith.addi %scan3A_51, %scan3A_52 : i32
    %scan3A_54 = arith.constant 1 : i32
    scf.for %scan3A_68 = %scan3A_51 to %scan3A_53 step %scan3A_54  : i32 {
      %jit3A = arith.constant 8 : i32
      %eq3A = arith.constant 0 : i32
      %eq3A_69 = arith.cmpi eq, %jit3A, %eq3A : i32
      %jit3A_70 = arith.constant 1 : i32
      %select_n3A = arith.select %eq3A_69, %jit3A_70, %jit3A : i32
      %rem3A = arith.remsi %scan3A_68, %select_n3A : i32
      %ne3A = arith.constant 0 : i32
      %ne3A_71 = arith.cmpi ne, %rem3A, %ne3A : i32
      %lt3A = arith.constant 0 : i32
      %lt3A_72 = arith.cmpi slt, %rem3A, %lt3A : i32
      %lt3A_73 = arith.constant 0 : i32
      %lt3A_74 = arith.cmpi slt, %select_n3A, %lt3A_73 : i32
      %ne3A_75 = arith.xori %lt3A_72, %lt3A_74 : i1
      %and3A = arith.andi %ne3A_75, %ne3A_71 : i1
      %add3A_76 = arith.addi %rem3A, %select_n3A : i32
      %select_n3A_77 = arith.select %and3A, %add3A_76, %rem3A : i32
      %mul3A_78 = arith.constant 80 : i32
      %mul3A_79 = arith.muli %scan3A_68, %mul3A_78 : i32
      %dma_start3A = arith.constant 0 : i32
      %dma_start3A_80 = arith.constant 0 : i32
      %dma_start3A_81 = tpu.memref_slice %arg10[%select_n3A_77, %dma_start3A, %dma_start3A_80] : memref<8x80x64xf32, #tpu.memory_space<vmem>> -> memref<1x80x64xf32, #tpu.memory_space<vmem>>
      %dma_start3A_82 = tpu.memref_squeeze %dma_start3A_81 : memref<1x80x64xf32, #tpu.memory_space<vmem>> -> memref<80x64xf32, #tpu.memory_space<vmem>>
      %dma_start3A_83 = tpu.memref_slice %arg9[%mul3A_79] : memref<32000xi32, #tpu.memory_space<vmem>> -> memref<80xi32, #tpu.memory_space<vmem>>
      %dma_start3A_84 = arith.constant 0 : i32
      %dma_start3A_85 = arith.constant 0 : i32
      %dma_start3A_86 = tpu.memref_slice %arg2[%dma_start3A_84, %dma_start3A_85] : memref<100000x64xf32, #tpu.memory_space<hbm>> -> memref<100000x64xf32, #tpu.memory_space<hbm>>
      %dma_start3A_87 = tpu.memref_slice %arg11[%select_n3A_77] : memref<8x!tpu.dma_semaphore, #tpu.memory_space<semaphore_mem>> -> memref<1x!tpu.dma_semaphore, #tpu.memory_space<semaphore_mem>>
      %dma_start3A_88 = tpu.memref_squeeze %dma_start3A_87 : memref<1x!tpu.dma_semaphore, #tpu.memory_space<semaphore_mem>> -> memref<!tpu.dma_semaphore, #tpu.memory_space<semaphore_mem>>
      tpu.enqueue_indirect_dma source(%dma_start3A_86 : memref<100000x64xf32, #tpu.memory_space<hbm>>) target(%dma_start3A_82 : memref<80x64xf32, #tpu.memory_space<vmem>>) offsets(%dma_start3A_83 : memref<80xi32, #tpu.memory_space<vmem>>) semaphore(%dma_start3A_88 : memref<!tpu.dma_semaphore, #tpu.memory_space<semaphore_mem>>)
    }
    %scan3A_55 = arith.constant 4 : i32
    %scan3A_56 = arith.constant 0 : i32
    %scan3A_57 = arith.constant 0 : i32
    %scan3A_58 = arith.constant 400 : i32
    %scan3A_59 = arith.addi %scan3A_57, %scan3A_58 : i32
    %scan3A_60 = arith.constant 1 : i32
    scf.for %scan3A_68 = %scan3A_57 to %scan3A_59 step %scan3A_60  : i32 {
      %jit3A = arith.constant 8 : i32
      %eq3A = arith.constant 0 : i32
      %eq3A_69 = arith.cmpi eq, %jit3A, %eq3A : i32
      %jit3A_70 = arith.constant 1 : i32
      %select_n3A = arith.select %eq3A_69, %jit3A_70, %jit3A : i32
      %rem3A = arith.remsi %scan3A_68, %select_n3A : i32
      %ne3A = arith.constant 0 : i32
      %ne3A_71 = arith.cmpi ne, %rem3A, %ne3A : i32
      %lt3A = arith.constant 0 : i32
      %lt3A_72 = arith.cmpi slt, %rem3A, %lt3A : i32
      %lt3A_73 = arith.constant 0 : i32
      %lt3A_74 = arith.cmpi slt, %select_n3A, %lt3A_73 : i32
      %ne3A_75 = arith.xori %lt3A_72, %lt3A_74 : i1
      %and3A = arith.andi %ne3A_75, %ne3A_71 : i1
      %add3A_76 = arith.addi %rem3A, %select_n3A : i32
      %select_n3A_77 = arith.select %and3A, %add3A_76, %rem3A : i32
      %mul3A_78 = arith.constant 80 : i32
      %mul3A_79 = arith.muli %scan3A_68, %mul3A_78 : i32
      %dma_wait3A = arith.constant 0 : i32
      %dma_wait3A_80 = arith.constant 0 : i32
      %dma_wait3A_81 = tpu.memref_slice %arg10[%select_n3A_77, %dma_wait3A, %dma_wait3A_80] : memref<8x80x64xf32, #tpu.memory_space<vmem>> -> memref<1x80x64xf32, #tpu.memory_space<vmem>>
      %dma_wait3A_82 = tpu.memref_squeeze %dma_wait3A_81 : memref<1x80x64xf32, #tpu.memory_space<vmem>> -> memref<80x64xf32, #tpu.memory_space<vmem>>
      %dma_wait3A_83 = tpu.memref_slice %arg9[%mul3A_79] : memref<32000xi32, #tpu.memory_space<vmem>> -> memref<80xi32, #tpu.memory_space<vmem>>
      %dma_wait3A_84 = arith.constant 0 : i32
      %dma_wait3A_85 = arith.constant 0 : i32
      %dma_wait3A_86 = tpu.memref_slice %arg2[%dma_wait3A_84, %dma_wait3A_85] : memref<100000x64xf32, #tpu.memory_space<hbm>> -> memref<100000x64xf32, #tpu.memory_space<hbm>>
      %dma_wait3A_87 = tpu.memref_slice %arg11[%select_n3A_77] : memref<8x!tpu.dma_semaphore, #tpu.memory_space<semaphore_mem>> -> memref<1x!tpu.dma_semaphore, #tpu.memory_space<semaphore_mem>>
      %dma_wait3A_88 = tpu.memref_squeeze %dma_wait3A_87 : memref<1x!tpu.dma_semaphore, #tpu.memory_space<semaphore_mem>> -> memref<!tpu.dma_semaphore, #tpu.memory_space<semaphore_mem>>
      tpu.wait_indirect_dma semaphore(%dma_wait3A_88 : memref<!tpu.dma_semaphore, #tpu.memory_space<semaphore_mem>>) src(%dma_wait3A_86 : memref<100000x64xf32, #tpu.memory_space<hbm>>) dst(%dma_wait3A_82 : memref<80x64xf32, #tpu.memory_space<vmem>>)
      %add3A_89 = arith.addi %mul3A_46, %scan3A_68 : i32
      %mul3A_90 = arith.constant 80 : i32
      %mul3A_91 = arith.muli %add3A_89, %mul3A_90 : i32
      %multiple_of3A_92 = tpu.assume_multiple %mul3A_91, 8 : i32
      %dma_start3A = arith.constant 0 : i32
      %dma_start3A_93 = arith.constant 0 : i32
      %dma_start3A_94 = tpu.memref_slice %arg10[%select_n3A_77, %dma_start3A, %dma_start3A_93] : memref<8x80x64xf32, #tpu.memory_space<vmem>> -> memref<1x80x64xf32, #tpu.memory_space<vmem>>
      %dma_start3A_95 = tpu.memref_squeeze %dma_start3A_94 : memref<1x80x64xf32, #tpu.memory_space<vmem>> -> memref<80x64xf32, #tpu.memory_space<vmem>>
      %dma_start3A_96 = arith.constant 0 : i32
      %dma_start3A_97 = tpu.memref_slice %arg8[%multiple_of3A_92, %dma_start3A_96] : memref<1024000x64xf32, #tpu.memory_space<hbm>> -> memref<80x64xf32, #tpu.memory_space<hbm>>
      %dma_start3A_98 = tpu.memref_slice %arg12[%select_n3A_77] : memref<8x!tpu.dma_semaphore, #tpu.memory_space<semaphore_mem>> -> memref<1x!tpu.dma_semaphore, #tpu.memory_space<semaphore_mem>>
      %dma_start3A_99 = tpu.memref_squeeze %dma_start3A_98 : memref<1x!tpu.dma_semaphore, #tpu.memory_space<semaphore_mem>> -> memref<!tpu.dma_semaphore, #tpu.memory_space<semaphore_mem>>
      %dma_start3A_100 = arith.constant 0 : i32
      %dma_start3A_101 = tpu.memref_slice %arg8[%multiple_of3A_92, %dma_start3A_100] : memref<1024000x64xf32, #tpu.memory_space<hbm>> -> memref<80x64xf32, #tpu.memory_space<hbm>>
      %dma_start3A_102 = arith.constant 0 : i32
      %dma_start3A_103 = arith.constant 0 : i32
      %dma_start3A_104 = tpu.memref_slice %arg10[%select_n3A_77, %dma_start3A_102, %dma_start3A_103] : memref<8x80x64xf32, #tpu.memory_space<vmem>> -> memref<1x80x64xf32, #tpu.memory_space<vmem>>
      %dma_start3A_105 = tpu.memref_squeeze %dma_start3A_104 : memref<1x80x64xf32, #tpu.memory_space<vmem>> -> memref<80x64xf32, #tpu.memory_space<vmem>>
      tpu.enqueue_dma source(%dma_start3A_105 : memref<80x64xf32, #tpu.memory_space<vmem>>) target(%dma_start3A_101 : memref<80x64xf32, #tpu.memory_space<hbm>>) target_semaphore(%dma_start3A_99 : memref<!tpu.dma_semaphore, #tpu.memory_space<semaphore_mem>>)
      %add3A_106 = arith.constant 4 : i32
      %add3A_107 = arith.addi %scan3A_68, %add3A_106 : i32
      %lt3A_108 = arith.constant 400 : i32
      %lt3A_109 = arith.cmpi slt, %add3A_107, %lt3A_108 : i32
      %convert_element_type3A = arith.extui %lt3A_109 : i1 to i32
      %cond3A = arith.constant 0 : i32
      %cond3A_110 = arith.cmpi ne, %convert_element_type3A, %cond3A : i32
      scf.if %cond3A_110 {
        %ge3A = arith.constant 8 : i32
        %ge3A_111 = arith.cmpi sge, %add3A_107, %ge3A : i32
        %convert_element_type3A_112 = arith.extui %ge3A_111 : i1 to i32
        %cond3A_113 = arith.constant 0 : i32
        %cond3A_114 = arith.cmpi ne, %convert_element_type3A_112, %cond3A_113 : i32
        scf.if %cond3A_114 {
          %sub3A = arith.constant 8 : i32
          %sub3A_143 = arith.subi %add3A_107, %sub3A : i32
          %jit3A_144 = arith.constant 8 : i32
          %eq3A_145 = arith.constant 0 : i32
          %eq3A_146 = arith.cmpi eq, %jit3A_144, %eq3A_145 : i32
          %jit3A_147 = arith.constant 1 : i32
          %select_n3A_148 = arith.select %eq3A_146, %jit3A_147, %jit3A_144 : i32
          %rem3A_149 = arith.remsi %add3A_107, %select_n3A_148 : i32
          %ne3A_150 = arith.constant 0 : i32
          %ne3A_151 = arith.cmpi ne, %rem3A_149, %ne3A_150 : i32
          %lt3A_152 = arith.constant 0 : i32
          %lt3A_153 = arith.cmpi slt, %rem3A_149, %lt3A_152 : i32
          %lt3A_154 = arith.constant 0 : i32
          %lt3A_155 = arith.cmpi slt, %select_n3A_148, %lt3A_154 : i32
          %ne3A_156 = arith.xori %lt3A_153, %lt3A_155 : i1
          %and3A_157 = arith.andi %ne3A_156, %ne3A_151 : i1
          %add3A_158 = arith.addi %rem3A_149, %select_n3A_148 : i32
          %select_n3A_159 = arith.select %and3A_157, %add3A_158, %rem3A_149 : i32
          %add3A_160 = arith.addi %mul3A_46, %sub3A_143 : i32
          %mul3A_161 = arith.constant 80 : i32
          %mul3A_162 = arith.muli %add3A_160, %mul3A_161 : i32
          %multiple_of3A_163 = tpu.assume_multiple %mul3A_162, 8 : i32
          %dma_wait3A_164 = arith.constant 0 : i32
          %dma_wait3A_165 = arith.constant 0 : i32
          %dma_wait3A_166 = tpu.memref_slice %arg10[%select_n3A_159, %dma_wait3A_164, %dma_wait3A_165] : memref<8x80x64xf32, #tpu.memory_space<vmem>> -> memref<1x80x64xf32, #tpu.memory_space<vmem>>
          %dma_wait3A_167 = tpu.memref_squeeze %dma_wait3A_166 : memref<1x80x64xf32, #tpu.memory_space<vmem>> -> memref<80x64xf32, #tpu.memory_space<vmem>>
          %dma_wait3A_168 = arith.constant 0 : i32
          %dma_wait3A_169 = tpu.memref_slice %arg8[%multiple_of3A_163, %dma_wait3A_168] : memref<1024000x64xf32, #tpu.memory_space<hbm>> -> memref<80x64xf32, #tpu.memory_space<hbm>>
          %dma_wait3A_170 = tpu.memref_slice %arg12[%select_n3A_159] : memref<8x!tpu.dma_semaphore, #tpu.memory_space<semaphore_mem>> -> memref<1x!tpu.dma_semaphore, #tpu.memory_space<semaphore_mem>>
          %dma_wait3A_171 = tpu.memref_squeeze %dma_wait3A_170 : memref<1x!tpu.dma_semaphore, #tpu.memory_space<semaphore_mem>> -> memref<!tpu.dma_semaphore, #tpu.memory_space<semaphore_mem>>
          %dma_wait3A_172 = arith.constant 0 : i32
          %dma_wait3A_173 = tpu.memref_slice %arg8[%multiple_of3A_163, %dma_wait3A_172] : memref<1024000x64xf32, #tpu.memory_space<hbm>> -> memref<80x64xf32, #tpu.memory_space<hbm>>
          %dma_wait3A_174 = arith.constant 0 : i32
          %dma_wait3A_175 = arith.constant 0 : i32
          %dma_wait3A_176 = tpu.memref_slice %arg10[%select_n3A_159, %dma_wait3A_174, %dma_wait3A_175] : memref<8x80x64xf32, #tpu.memory_space<vmem>> -> memref<1x80x64xf32, #tpu.memory_space<vmem>>
          %dma_wait3A_177 = tpu.memref_squeeze %dma_wait3A_176 : memref<1x80x64xf32, #tpu.memory_space<vmem>> -> memref<80x64xf32, #tpu.memory_space<vmem>>
          tpu.wait_dma2 semaphore(%dma_wait3A_171 : memref<!tpu.dma_semaphore, #tpu.memory_space<semaphore_mem>>) src(%dma_wait3A_177 : memref<80x64xf32, #tpu.memory_space<vmem>>) dst(%dma_wait3A_173 : memref<80x64xf32, #tpu.memory_space<hbm>>)
        } else {
        }
        %jit3A_115 = arith.constant 8 : i32
        %eq3A_116 = arith.constant 0 : i32
        %eq3A_117 = arith.cmpi eq, %jit3A_115, %eq3A_116 : i32
        %jit3A_118 = arith.constant 1 : i32
        %select_n3A_119 = arith.select %eq3A_117, %jit3A_118, %jit3A_115 : i32
        %rem3A_120 = arith.remsi %add3A_107, %select_n3A_119 : i32
        %ne3A_121 = arith.constant 0 : i32
        %ne3A_122 = arith.cmpi ne, %rem3A_120, %ne3A_121 : i32
        %lt3A_123 = arith.constant 0 : i32
        %lt3A_124 = arith.cmpi slt, %rem3A_120, %lt3A_123 : i32
        %lt3A_125 = arith.constant 0 : i32
        %lt3A_126 = arith.cmpi slt, %select_n3A_119, %lt3A_125 : i32
        %ne3A_127 = arith.xori %lt3A_124, %lt3A_126 : i1
        %and3A_128 = arith.andi %ne3A_127, %ne3A_122 : i1
        %add3A_129 = arith.addi %rem3A_120, %select_n3A_119 : i32
        %select_n3A_130 = arith.select %and3A_128, %add3A_129, %rem3A_120 : i32
        %mul3A_131 = arith.constant 80 : i32
        %mul3A_132 = arith.muli %add3A_107, %mul3A_131 : i32
        %dma_start3A_133 = arith.constant 0 : i32
        %dma_start3A_134 = arith.constant 0 : i32
        %dma_start3A_135 = tpu.memref_slice %arg10[%select_n3A_130, %dma_start3A_133, %dma_start3A_134] : memref<8x80x64xf32, #tpu.memory_space<vmem>> -> memref<1x80x64xf32, #tpu.memory_space<vmem>>
        %dma_start3A_136 = tpu.memref_squeeze %dma_start3A_135 : memref<1x80x64xf32, #tpu.memory_space<vmem>> -> memref<80x64xf32, #tpu.memory_space<vmem>>
        %dma_start3A_137 = tpu.memref_slice %arg9[%mul3A_132] : memref<32000xi32, #tpu.memory_space<vmem>> -> memref<80xi32, #tpu.memory_space<vmem>>
        %dma_start3A_138 = arith.constant 0 : i32
        %dma_start3A_139 = arith.constant 0 : i32
        %dma_start3A_140 = tpu.memref_slice %arg2[%dma_start3A_138, %dma_start3A_139] : memref<100000x64xf32, #tpu.memory_space<hbm>> -> memref<100000x64xf32, #tpu.memory_space<hbm>>
        %dma_start3A_141 = tpu.memref_slice %arg11[%select_n3A_130] : memref<8x!tpu.dma_semaphore, #tpu.memory_space<semaphore_mem>> -> memref<1x!tpu.dma_semaphore, #tpu.memory_space<semaphore_mem>>
        %dma_start3A_142 = tpu.memref_squeeze %dma_start3A_141 : memref<1x!tpu.dma_semaphore, #tpu.memory_space<semaphore_mem>> -> memref<!tpu.dma_semaphore, #tpu.memory_space<semaphore_mem>>
        tpu.enqueue_indirect_dma source(%dma_start3A_140 : memref<100000x64xf32, #tpu.memory_space<hbm>>) target(%dma_start3A_136 : memref<80x64xf32, #tpu.memory_space<vmem>>) offsets(%dma_start3A_137 : memref<80xi32, #tpu.memory_space<vmem>>) semaphore(%dma_start3A_142 : memref<!tpu.dma_semaphore, #tpu.memory_space<semaphore_mem>>)
      } else {
      }
    }
    %scan3A_61 = arith.constant 400 : i32
    %scan3A_62 = arith.constant 0 : i32
    %scan3A_63 = arith.constant 392 : i32
    %scan3A_64 = arith.constant 8 : i32
    %scan3A_65 = arith.addi %scan3A_63, %scan3A_64 : i32
    %scan3A_66 = arith.constant 1 : i32
    scf.for %scan3A_68 = %scan3A_63 to %scan3A_65 step %scan3A_66  : i32 {
      %jit3A = arith.constant 8 : i32
      %eq3A = arith.constant 0 : i32
      %eq3A_69 = arith.cmpi eq, %jit3A, %eq3A : i32
      %jit3A_70 = arith.constant 1 : i32
      %select_n3A = arith.select %eq3A_69, %jit3A_70, %jit3A : i32
      %rem3A = arith.remsi %scan3A_68, %select_n3A : i32
      %ne3A = arith.constant 0 : i32
      %ne3A_71 = arith.cmpi ne, %rem3A, %ne3A : i32
      %lt3A = arith.constant 0 : i32
      %lt3A_72 = arith.cmpi slt, %rem3A, %lt3A : i32
      %lt3A_73 = arith.constant 0 : i32
      %lt3A_74 = arith.cmpi slt, %select_n3A, %lt3A_73 : i32
      %ne3A_75 = arith.xori %lt3A_72, %lt3A_74 : i1
      %and3A = arith.andi %ne3A_75, %ne3A_71 : i1
      %add3A_76 = arith.addi %rem3A, %select_n3A : i32
      %select_n3A_77 = arith.select %and3A, %add3A_76, %rem3A : i32
      %add3A_78 = arith.addi %mul3A_46, %scan3A_68 : i32
      %mul3A_79 = arith.constant 80 : i32
      %mul3A_80 = arith.muli %add3A_78, %mul3A_79 : i32
      %multiple_of3A_81 = tpu.assume_multiple %mul3A_80, 8 : i32
      %dma_wait3A = arith.constant 0 : i32
      %dma_wait3A_82 = arith.constant 0 : i32
      %dma_wait3A_83 = tpu.memref_slice %arg10[%select_n3A_77, %dma_wait3A, %dma_wait3A_82] : memref<8x80x64xf32, #tpu.memory_space<vmem>> -> memref<1x80x64xf32, #tpu.memory_space<vmem>>
      %dma_wait3A_84 = tpu.memref_squeeze %dma_wait3A_83 : memref<1x80x64xf32, #tpu.memory_space<vmem>> -> memref<80x64xf32, #tpu.memory_space<vmem>>
      %dma_wait3A_85 = arith.constant 0 : i32
      %dma_wait3A_86 = tpu.memref_slice %arg8[%multiple_of3A_81, %dma_wait3A_85] : memref<1024000x64xf32, #tpu.memory_space<hbm>> -> memref<80x64xf32, #tpu.memory_space<hbm>>
      %dma_wait3A_87 = tpu.memref_slice %arg12[%select_n3A_77] : memref<8x!tpu.dma_semaphore, #tpu.memory_space<semaphore_mem>> -> memref<1x!tpu.dma_semaphore, #tpu.memory_space<semaphore_mem>>
      %dma_wait3A_88 = tpu.memref_squeeze %dma_wait3A_87 : memref<1x!tpu.dma_semaphore, #tpu.memory_space<semaphore_mem>> -> memref<!tpu.dma_semaphore, #tpu.memory_space<semaphore_mem>>
      %dma_wait3A_89 = arith.constant 0 : i32
      %dma_wait3A_90 = tpu.memref_slice %arg8[%multiple_of3A_81, %dma_wait3A_89] : memref<1024000x64xf32, #tpu.memory_space<hbm>> -> memref<80x64xf32, #tpu.memory_space<hbm>>
      %dma_wait3A_91 = arith.constant 0 : i32
      %dma_wait3A_92 = arith.constant 0 : i32
      %dma_wait3A_93 = tpu.memref_slice %arg10[%select_n3A_77, %dma_wait3A_91, %dma_wait3A_92] : memref<8x80x64xf32, #tpu.memory_space<vmem>> -> memref<1x80x64xf32, #tpu.memory_space<vmem>>
      %dma_wait3A_94 = tpu.memref_squeeze %dma_wait3A_93 : memref<1x80x64xf32, #tpu.memory_space<vmem>> -> memref<80x64xf32, #tpu.memory_space<vmem>>
      tpu.wait_dma2 semaphore(%dma_wait3A_88 : memref<!tpu.dma_semaphore, #tpu.memory_space<semaphore_mem>>) src(%dma_wait3A_94 : memref<80x64xf32, #tpu.memory_space<vmem>>) dst(%dma_wait3A_90 : memref<80x64xf32, #tpu.memory_space<hbm>>)
    }
    %scan3A_67 = arith.constant 8 : i32
    return
  }
}

#map = affine_map<(d0, d1) -> (0)>
module attributes {stable_mosaic.version = 14 : i64} {
  func.func @_mask_table(%arg0: i32, %arg1: i32, %arg2: memref<6400000xf32, #tpu.memory_space<hbm>>, %arg3: memref<6400000xf32, #tpu.memory_space<hbm>>, %arg4: memref<40000xf32, #tpu.memory_space<vmem>>, %arg5: memref<40000xf32, #tpu.memory_space<vmem>>, %arg6: memref<2x!tpu.dma_semaphore, #tpu.memory_space<semaphore_mem>>, %arg7: memref<2x!tpu.dma_semaphore, #tpu.memory_space<semaphore_mem>>) attributes {dimension_semantics = [#tpu.dimension_semantics<core_parallel>, #tpu.dimension_semantics<subcore_parallel>], iteration_bounds = array<i64: 2, 16>, scalar_prefetch = 0 : i64, scratch_operands = 4 : i64, tpu.core_type = #tpu.core_type<sc_vector_subcore>, window_params = [{transform_indices = #map}, {transform_indices = #map}]} {
    %mul3A = arith.constant 2 : i32
    %mul3A_0 = arith.muli %arg1, %mul3A : i32
    %add3A = arith.addi %mul3A_0, %arg0 : i32
    %mul3A_1 = arith.constant 200000 : i32
    %mul3A_2 = arith.muli %add3A, %mul3A_1 : i32
    %multiple_of3A = tpu.assume_multiple %mul3A_2, 8 : i32
    %add3A_3 = arith.constant 0 : i32
    %add3A_4 = arith.addi %multiple_of3A, %add3A_3 : i32
    %dma_start3A = arith.constant 0 : i32
    %dma_start3A_5 = tpu.memref_slice %arg2[%add3A_4] : memref<6400000xf32, #tpu.memory_space<hbm>> -> memref<40000xf32, #tpu.memory_space<hbm>>
    %dma_start3A_6 = tpu.memref_slice %arg6[%dma_start3A] : memref<2x!tpu.dma_semaphore, #tpu.memory_space<semaphore_mem>> -> memref<1x!tpu.dma_semaphore, #tpu.memory_space<semaphore_mem>>
    %dma_start3A_7 = tpu.memref_squeeze %dma_start3A_6 : memref<1x!tpu.dma_semaphore, #tpu.memory_space<semaphore_mem>> -> memref<!tpu.dma_semaphore, #tpu.memory_space<semaphore_mem>>
    %dma_start3A_8 = tpu.memref_slice %arg2[%add3A_4] : memref<6400000xf32, #tpu.memory_space<hbm>> -> memref<40000xf32, #tpu.memory_space<hbm>>
    tpu.enqueue_dma source(%dma_start3A_8 : memref<40000xf32, #tpu.memory_space<hbm>>) target(%arg4 : memref<40000xf32, #tpu.memory_space<vmem>>) target_semaphore(%dma_start3A_7 : memref<!tpu.dma_semaphore, #tpu.memory_space<semaphore_mem>>)
    %add3A_9 = arith.constant 0 : i32
    %add3A_10 = arith.addi %multiple_of3A, %add3A_9 : i32
    %dma_wait3A = arith.constant 0 : i32
    %dma_wait3A_11 = tpu.memref_slice %arg2[%add3A_10] : memref<6400000xf32, #tpu.memory_space<hbm>> -> memref<40000xf32, #tpu.memory_space<hbm>>
    %dma_wait3A_12 = tpu.memref_slice %arg6[%dma_wait3A] : memref<2x!tpu.dma_semaphore, #tpu.memory_space<semaphore_mem>> -> memref<1x!tpu.dma_semaphore, #tpu.memory_space<semaphore_mem>>
    %dma_wait3A_13 = tpu.memref_squeeze %dma_wait3A_12 : memref<1x!tpu.dma_semaphore, #tpu.memory_space<semaphore_mem>> -> memref<!tpu.dma_semaphore, #tpu.memory_space<semaphore_mem>>
    %dma_wait3A_14 = tpu.memref_slice %arg2[%add3A_10] : memref<6400000xf32, #tpu.memory_space<hbm>> -> memref<40000xf32, #tpu.memory_space<hbm>>
    tpu.wait_dma2 semaphore(%dma_wait3A_13 : memref<!tpu.dma_semaphore, #tpu.memory_space<semaphore_mem>>) src(%dma_wait3A_14 : memref<40000xf32, #tpu.memory_space<hbm>>) dst(%arg4 : memref<40000xf32, #tpu.memory_space<vmem>>)
    %eq3A = arith.constant 0 : i32
    %eq3A_15 = arith.cmpi eq, %add3A, %eq3A : i32
    %convert_element_type3A = arith.extui %eq3A_15 : i1 to i32
    %cond3A = arith.constant 0 : i32
    %cond3A_16 = arith.cmpi ne, %convert_element_type3A, %cond3A : i32
    scf.if %cond3A_16 {
      %broadcast_in_dim3A = arith.constant 0.000000e+00 : f32
      %broadcast_in_dim3A_143 = vector.broadcast %broadcast_in_dim3A : f32 to vector<16xf32>
      %swap3A = arith.constant 0 : index
      %swap3A_144 = tpu.vector_load %arg4[%swap3A] {strides = array<i32>} : memref<40000xf32, #tpu.memory_space<vmem>>, vector<16xf32>,
      %swap3A_145 = vector.shape_cast %swap3A_144 : vector<16xf32> to vector<16xf32>
      %swap3A_146 = vector.shape_cast %broadcast_in_dim3A_143 : vector<16xf32> to vector<16xf32>
      tpu.vector_store %arg4[%swap3A], %swap3A_146 {strides = array<i32>} : memref<40000xf32, #tpu.memory_space<vmem>>, vector<16xf32>,
      %swap3A_147 = arith.constant 16 : index
      %swap3A_148 = tpu.vector_load %arg4[%swap3A_147] {strides = array<i32>} : memref<40000xf32, #tpu.memory_space<vmem>>, vector<16xf32>,
      %swap3A_149 = vector.shape_cast %swap3A_148 : vector<16xf32> to vector<16xf32>
      %swap3A_150 = vector.shape_cast %broadcast_in_dim3A_143 : vector<16xf32> to vector<16xf32>
      tpu.vector_store %arg4[%swap3A_147], %swap3A_150 {strides = array<i32>} : memref<40000xf32, #tpu.memory_space<vmem>>, vector<16xf32>,
      %swap3A_151 = arith.constant 32 : index
      %swap3A_152 = tpu.vector_load %arg4[%swap3A_151] {strides = array<i32>} : memref<40000xf32, #tpu.memory_space<vmem>>, vector<16xf32>,
      %swap3A_153 = vector.shape_cast %swap3A_152 : vector<16xf32> to vector<16xf32>
      %swap3A_154 = vector.shape_cast %broadcast_in_dim3A_143 : vector<16xf32> to vector<16xf32>
      tpu.vector_store %arg4[%swap3A_151], %swap3A_154 {strides = array<i32>} : memref<40000xf32, #tpu.memory_space<vmem>>, vector<16xf32>,
      %swap3A_155 = arith.constant 48 : index
      %swap3A_156 = tpu.vector_load %arg4[%swap3A_155] {strides = array<i32>} : memref<40000xf32, #tpu.memory_space<vmem>>, vector<16xf32>,
      %swap3A_157 = vector.shape_cast %swap3A_156 : vector<16xf32> to vector<16xf32>
      %swap3A_158 = vector.shape_cast %broadcast_in_dim3A_143 : vector<16xf32> to vector<16xf32>
      tpu.vector_store %arg4[%swap3A_155], %swap3A_158 {strides = array<i32>} : memref<40000xf32, #tpu.memory_space<vmem>>, vector<16xf32>,
    } else {
    }
    %add3A_17 = arith.constant 0 : i32
    %add3A_18 = arith.addi %multiple_of3A, %add3A_17 : i32
    %dma_start3A_19 = arith.constant 0 : i32
    %dma_start3A_20 = tpu.memref_slice %arg3[%add3A_18] : memref<6400000xf32, #tpu.memory_space<hbm>> -> memref<40000xf32, #tpu.memory_space<hbm>>
    %dma_start3A_21 = tpu.memref_slice %arg7[%dma_start3A_19] : memref<2x!tpu.dma_semaphore, #tpu.memory_space<semaphore_mem>> -> memref<1x!tpu.dma_semaphore, #tpu.memory_space<semaphore_mem>>
    %dma_start3A_22 = tpu.memref_squeeze %dma_start3A_21 : memref<1x!tpu.dma_semaphore, #tpu.memory_space<semaphore_mem>> -> memref<!tpu.dma_semaphore, #tpu.memory_space<semaphore_mem>>
    %dma_start3A_23 = tpu.memref_slice %arg3[%add3A_18] : memref<6400000xf32, #tpu.memory_space<hbm>> -> memref<40000xf32, #tpu.memory_space<hbm>>
    tpu.enqueue_dma source(%arg4 : memref<40000xf32, #tpu.memory_space<vmem>>) target(%dma_start3A_23 : memref<40000xf32, #tpu.memory_space<hbm>>) target_semaphore(%dma_start3A_22 : memref<!tpu.dma_semaphore, #tpu.memory_space<semaphore_mem>>)
    %add3A_24 = arith.constant 40000 : i32
    %add3A_25 = arith.addi %multiple_of3A, %add3A_24 : i32
    %dma_start3A_26 = arith.constant 1 : i32
    %dma_start3A_27 = tpu.memref_slice %arg2[%add3A_25] : memref<6400000xf32, #tpu.memory_space<hbm>> -> memref<40000xf32, #tpu.memory_space<hbm>>
    %dma_start3A_28 = tpu.memref_slice %arg6[%dma_start3A_26] : memref<2x!tpu.dma_semaphore, #tpu.memory_space<semaphore_mem>> -> memref<1x!tpu.dma_semaphore, #tpu.memory_space<semaphore_mem>>
    %dma_start3A_29 = tpu.memref_squeeze %dma_start3A_28 : memref<1x!tpu.dma_semaphore, #tpu.memory_space<semaphore_mem>> -> memref<!tpu.dma_semaphore, #tpu.memory_space<semaphore_mem>>
    %dma_start3A_30 = tpu.memref_slice %arg2[%add3A_25] : memref<6400000xf32, #tpu.memory_space<hbm>> -> memref<40000xf32, #tpu.memory_space<hbm>>
    tpu.enqueue_dma source(%dma_start3A_30 : memref<40000xf32, #tpu.memory_space<hbm>>) target(%arg5 : memref<40000xf32, #tpu.memory_space<vmem>>) target_semaphore(%dma_start3A_29 : memref<!tpu.dma_semaphore, #tpu.memory_space<semaphore_mem>>)
    %add3A_31 = arith.constant 40000 : i32
    %add3A_32 = arith.addi %multiple_of3A, %add3A_31 : i32
    %dma_wait3A_33 = arith.constant 1 : i32
    %dma_wait3A_34 = tpu.memref_slice %arg2[%add3A_32] : memref<6400000xf32, #tpu.memory_space<hbm>> -> memref<40000xf32, #tpu.memory_space<hbm>>
    %dma_wait3A_35 = tpu.memref_slice %arg6[%dma_wait3A_33] : memref<2x!tpu.dma_semaphore, #tpu.memory_space<semaphore_mem>> -> memref<1x!tpu.dma_semaphore, #tpu.memory_space<semaphore_mem>>
    %dma_wait3A_36 = tpu.memref_squeeze %dma_wait3A_35 : memref<1x!tpu.dma_semaphore, #tpu.memory_space<semaphore_mem>> -> memref<!tpu.dma_semaphore, #tpu.memory_space<semaphore_mem>>
    %dma_wait3A_37 = tpu.memref_slice %arg2[%add3A_32] : memref<6400000xf32, #tpu.memory_space<hbm>> -> memref<40000xf32, #tpu.memory_space<hbm>>
    tpu.wait_dma2 semaphore(%dma_wait3A_36 : memref<!tpu.dma_semaphore, #tpu.memory_space<semaphore_mem>>) src(%dma_wait3A_37 : memref<40000xf32, #tpu.memory_space<hbm>>) dst(%arg5 : memref<40000xf32, #tpu.memory_space<vmem>>)
    %add3A_38 = arith.constant 40000 : i32
    %add3A_39 = arith.addi %multiple_of3A, %add3A_38 : i32
    %dma_start3A_40 = arith.constant 1 : i32
    %dma_start3A_41 = tpu.memref_slice %arg3[%add3A_39] : memref<6400000xf32, #tpu.memory_space<hbm>> -> memref<40000xf32, #tpu.memory_space<hbm>>
    %dma_start3A_42 = tpu.memref_slice %arg7[%dma_start3A_40] : memref<2x!tpu.dma_semaphore, #tpu.memory_space<semaphore_mem>> -> memref<1x!tpu.dma_semaphore, #tpu.memory_space<semaphore_mem>>
    %dma_start3A_43 = tpu.memref_squeeze %dma_start3A_42 : memref<1x!tpu.dma_semaphore, #tpu.memory_space<semaphore_mem>> -> memref<!tpu.dma_semaphore, #tpu.memory_space<semaphore_mem>>
    %dma_start3A_44 = tpu.memref_slice %arg3[%add3A_39] : memref<6400000xf32, #tpu.memory_space<hbm>> -> memref<40000xf32, #tpu.memory_space<hbm>>
    tpu.enqueue_dma source(%arg5 : memref<40000xf32, #tpu.memory_space<vmem>>) target(%dma_start3A_44 : memref<40000xf32, #tpu.memory_space<hbm>>) target_semaphore(%dma_start3A_43 : memref<!tpu.dma_semaphore, #tpu.memory_space<semaphore_mem>>)
    %add3A_45 = arith.constant 0 : i32
    %add3A_46 = arith.addi %multiple_of3A, %add3A_45 : i32
    %dma_wait3A_47 = arith.constant 0 : i32
    %dma_wait3A_48 = tpu.memref_slice %arg3[%add3A_46] : memref<6400000xf32, #tpu.memory_space<hbm>> -> memref<40000xf32, #tpu.memory_space<hbm>>
    %dma_wait3A_49 = tpu.memref_slice %arg7[%dma_wait3A_47] : memref<2x!tpu.dma_semaphore, #tpu.memory_space<semaphore_mem>> -> memref<1x!tpu.dma_semaphore, #tpu.memory_space<semaphore_mem>>
    %dma_wait3A_50 = tpu.memref_squeeze %dma_wait3A_49 : memref<1x!tpu.dma_semaphore, #tpu.memory_space<semaphore_mem>> -> memref<!tpu.dma_semaphore, #tpu.memory_space<semaphore_mem>>
    %dma_wait3A_51 = tpu.memref_slice %arg3[%add3A_46] : memref<6400000xf32, #tpu.memory_space<hbm>> -> memref<40000xf32, #tpu.memory_space<hbm>>
    tpu.wait_dma2 semaphore(%dma_wait3A_50 : memref<!tpu.dma_semaphore, #tpu.memory_space<semaphore_mem>>) src(%arg4 : memref<40000xf32, #tpu.memory_space<vmem>>) dst(%dma_wait3A_51 : memref<40000xf32, #tpu.memory_space<hbm>>)
    %add3A_52 = arith.constant 80000 : i32
    %add3A_53 = arith.addi %multiple_of3A, %add3A_52 : i32
    %dma_start3A_54 = arith.constant 0 : i32
    %dma_start3A_55 = tpu.memref_slice %arg2[%add3A_53] : memref<6400000xf32, #tpu.memory_space<hbm>> -> memref<40000xf32, #tpu.memory_space<hbm>>
    %dma_start3A_56 = tpu.memref_slice %arg6[%dma_start3A_54] : memref<2x!tpu.dma_semaphore, #tpu.memory_space<semaphore_mem>> -> memref<1x!tpu.dma_semaphore, #tpu.memory_space<semaphore_mem>>
    %dma_start3A_57 = tpu.memref_squeeze %dma_start3A_56 : memref<1x!tpu.dma_semaphore, #tpu.memory_space<semaphore_mem>> -> memref<!tpu.dma_semaphore, #tpu.memory_space<semaphore_mem>>
    %dma_start3A_58 = tpu.memref_slice %arg2[%add3A_53] : memref<6400000xf32, #tpu.memory_space<hbm>> -> memref<40000xf32, #tpu.memory_space<hbm>>
    tpu.enqueue_dma source(%dma_start3A_58 : memref<40000xf32, #tpu.memory_space<hbm>>) target(%arg4 : memref<40000xf32, #tpu.memory_space<vmem>>) target_semaphore(%dma_start3A_57 : memref<!tpu.dma_semaphore, #tpu.memory_space<semaphore_mem>>)
    %add3A_59 = arith.constant 80000 : i32
    %add3A_60 = arith.addi %multiple_of3A, %add3A_59 : i32
    %dma_wait3A_61 = arith.constant 0 : i32
    %dma_wait3A_62 = tpu.memref_slice %arg2[%add3A_60] : memref<6400000xf32, #tpu.memory_space<hbm>> -> memref<40000xf32, #tpu.memory_space<hbm>>
    %dma_wait3A_63 = tpu.memref_slice %arg6[%dma_wait3A_61] : memref<2x!tpu.dma_semaphore, #tpu.memory_space<semaphore_mem>> -> memref<1x!tpu.dma_semaphore, #tpu.memory_space<semaphore_mem>>
    %dma_wait3A_64 = tpu.memref_squeeze %dma_wait3A_63 : memref<1x!tpu.dma_semaphore, #tpu.memory_space<semaphore_mem>> -> memref<!tpu.dma_semaphore, #tpu.memory_space<semaphore_mem>>
    %dma_wait3A_65 = tpu.memref_slice %arg2[%add3A_60] : memref<6400000xf32, #tpu.memory_space<hbm>> -> memref<40000xf32, #tpu.memory_space<hbm>>
    tpu.wait_dma2 semaphore(%dma_wait3A_64 : memref<!tpu.dma_semaphore, #tpu.memory_space<semaphore_mem>>) src(%dma_wait3A_65 : memref<40000xf32, #tpu.memory_space<hbm>>) dst(%arg4 : memref<40000xf32, #tpu.memory_space<vmem>>)
    %add3A_66 = arith.constant 80000 : i32
    %add3A_67 = arith.addi %multiple_of3A, %add3A_66 : i32
    %dma_start3A_68 = arith.constant 0 : i32
    %dma_start3A_69 = tpu.memref_slice %arg3[%add3A_67] : memref<6400000xf32, #tpu.memory_space<hbm>> -> memref<40000xf32, #tpu.memory_space<hbm>>
    %dma_start3A_70 = tpu.memref_slice %arg7[%dma_start3A_68] : memref<2x!tpu.dma_semaphore, #tpu.memory_space<semaphore_mem>> -> memref<1x!tpu.dma_semaphore, #tpu.memory_space<semaphore_mem>>
    %dma_start3A_71 = tpu.memref_squeeze %dma_start3A_70 : memref<1x!tpu.dma_semaphore, #tpu.memory_space<semaphore_mem>> -> memref<!tpu.dma_semaphore, #tpu.memory_space<semaphore_mem>>
    %dma_start3A_72 = tpu.memref_slice %arg3[%add3A_67] : memref<6400000xf32, #tpu.memory_space<hbm>> -> memref<40000xf32, #tpu.memory_space<hbm>>
    tpu.enqueue_dma source(%arg4 : memref<40000xf32, #tpu.memory_space<vmem>>) target(%dma_start3A_72 : memref<40000xf32, #tpu.memory_space<hbm>>) target_semaphore(%dma_start3A_71 : memref<!tpu.dma_semaphore, #tpu.memory_space<semaphore_mem>>)
    %add3A_73 = arith.constant 40000 : i32
    %add3A_74 = arith.addi %multiple_of3A, %add3A_73 : i32
    %dma_wait3A_75 = arith.constant 1 : i32
    %dma_wait3A_76 = tpu.memref_slice %arg3[%add3A_74] : memref<6400000xf32, #tpu.memory_space<hbm>> -> memref<40000xf32, #tpu.memory_space<hbm>>
    %dma_wait3A_77 = tpu.memref_slice %arg7[%dma_wait3A_75] : memref<2x!tpu.dma_semaphore, #tpu.memory_space<semaphore_mem>> -> memref<1x!tpu.dma_semaphore, #tpu.memory_space<semaphore_mem>>
    %dma_wait3A_78 = tpu.memref_squeeze %dma_wait3A_77 : memref<1x!tpu.dma_semaphore, #tpu.memory_space<semaphore_mem>> -> memref<!tpu.dma_semaphore, #tpu.memory_space<semaphore_mem>>
    %dma_wait3A_79 = tpu.memref_slice %arg3[%add3A_74] : memref<6400000xf32, #tpu.memory_space<hbm>> -> memref<40000xf32, #tpu.memory_space<hbm>>
    tpu.wait_dma2 semaphore(%dma_wait3A_78 : memref<!tpu.dma_semaphore, #tpu.memory_space<semaphore_mem>>) src(%arg5 : memref<40000xf32, #tpu.memory_space<vmem>>) dst(%dma_wait3A_79 : memref<40000xf32, #tpu.memory_space<hbm>>)
    %add3A_80 = arith.constant 120000 : i32
    %add3A_81 = arith.addi %multiple_of3A, %add3A_80 : i32
    %dma_start3A_82 = arith.constant 1 : i32
    %dma_start3A_83 = tpu.memref_slice %arg2[%add3A_81] : memref<6400000xf32, #tpu.memory_space<hbm>> -> memref<40000xf32, #tpu.memory_space<hbm>>
    %dma_start3A_84 = tpu.memref_slice %arg6[%dma_start3A_82] : memref<2x!tpu.dma_semaphore, #tpu.memory_space<semaphore_mem>> -> memref<1x!tpu.dma_semaphore, #tpu.memory_space<semaphore_mem>>
    %dma_start3A_85 = tpu.memref_squeeze %dma_start3A_84 : memref<1x!tpu.dma_semaphore, #tpu.memory_space<semaphore_mem>> -> memref<!tpu.dma_semaphore, #tpu.memory_space<semaphore_mem>>
    %dma_start3A_86 = tpu.memref_slice %arg2[%add3A_81] : memref<6400000xf32, #tpu.memory_space<hbm>> -> memref<40000xf32, #tpu.memory_space<hbm>>
    tpu.enqueue_dma source(%dma_start3A_86 : memref<40000xf32, #tpu.memory_space<hbm>>) target(%arg5 : memref<40000xf32, #tpu.memory_space<vmem>>) target_semaphore(%dma_start3A_85 : memref<!tpu.dma_semaphore, #tpu.memory_space<semaphore_mem>>)
    %add3A_87 = arith.constant 120000 : i32
    %add3A_88 = arith.addi %multiple_of3A, %add3A_87 : i32
    %dma_wait3A_89 = arith.constant 1 : i32
    %dma_wait3A_90 = tpu.memref_slice %arg2[%add3A_88] : memref<6400000xf32, #tpu.memory_space<hbm>> -> memref<40000xf32, #tpu.memory_space<hbm>>
    %dma_wait3A_91 = tpu.memref_slice %arg6[%dma_wait3A_89] : memref<2x!tpu.dma_semaphore, #tpu.memory_space<semaphore_mem>> -> memref<1x!tpu.dma_semaphore, #tpu.memory_space<semaphore_mem>>
    %dma_wait3A_92 = tpu.memref_squeeze %dma_wait3A_91 : memref<1x!tpu.dma_semaphore, #tpu.memory_space<semaphore_mem>> -> memref<!tpu.dma_semaphore, #tpu.memory_space<semaphore_mem>>
    %dma_wait3A_93 = tpu.memref_slice %arg2[%add3A_88] : memref<6400000xf32, #tpu.memory_space<hbm>> -> memref<40000xf32, #tpu.memory_space<hbm>>
    tpu.wait_dma2 semaphore(%dma_wait3A_92 : memref<!tpu.dma_semaphore, #tpu.memory_space<semaphore_mem>>) src(%dma_wait3A_93 : memref<40000xf32, #tpu.memory_space<hbm>>) dst(%arg5 : memref<40000xf32, #tpu.memory_space<vmem>>)
    %add3A_94 = arith.constant 120000 : i32
    %add3A_95 = arith.addi %multiple_of3A, %add3A_94 : i32
    %dma_start3A_96 = arith.constant 1 : i32
    %dma_start3A_97 = tpu.memref_slice %arg3[%add3A_95] : memref<6400000xf32, #tpu.memory_space<hbm>> -> memref<40000xf32, #tpu.memory_space<hbm>>
    %dma_start3A_98 = tpu.memref_slice %arg7[%dma_start3A_96] : memref<2x!tpu.dma_semaphore, #tpu.memory_space<semaphore_mem>> -> memref<1x!tpu.dma_semaphore, #tpu.memory_space<semaphore_mem>>
    %dma_start3A_99 = tpu.memref_squeeze %dma_start3A_98 : memref<1x!tpu.dma_semaphore, #tpu.memory_space<semaphore_mem>> -> memref<!tpu.dma_semaphore, #tpu.memory_space<semaphore_mem>>
    %dma_start3A_100 = tpu.memref_slice %arg3[%add3A_95] : memref<6400000xf32, #tpu.memory_space<hbm>> -> memref<40000xf32, #tpu.memory_space<hbm>>
    tpu.enqueue_dma source(%arg5 : memref<40000xf32, #tpu.memory_space<vmem>>) target(%dma_start3A_100 : memref<40000xf32, #tpu.memory_space<hbm>>) target_semaphore(%dma_start3A_99 : memref<!tpu.dma_semaphore, #tpu.memory_space<semaphore_mem>>)
    %add3A_101 = arith.constant 80000 : i32
    %add3A_102 = arith.addi %multiple_of3A, %add3A_101 : i32
    %dma_wait3A_103 = arith.constant 0 : i32
    %dma_wait3A_104 = tpu.memref_slice %arg3[%add3A_102] : memref<6400000xf32, #tpu.memory_space<hbm>> -> memref<40000xf32, #tpu.memory_space<hbm>>
    %dma_wait3A_105 = tpu.memref_slice %arg7[%dma_wait3A_103] : memref<2x!tpu.dma_semaphore, #tpu.memory_space<semaphore_mem>> -> memref<1x!tpu.dma_semaphore, #tpu.memory_space<semaphore_mem>>
    %dma_wait3A_106 = tpu.memref_squeeze %dma_wait3A_105 : memref<1x!tpu.dma_semaphore, #tpu.memory_space<semaphore_mem>> -> memref<!tpu.dma_semaphore, #tpu.memory_space<semaphore_mem>>
    %dma_wait3A_107 = tpu.memref_slice %arg3[%add3A_102] : memref<6400000xf32, #tpu.memory_space<hbm>> -> memref<40000xf32, #tpu.memory_space<hbm>>
    tpu.wait_dma2 semaphore(%dma_wait3A_106 : memref<!tpu.dma_semaphore, #tpu.memory_space<semaphore_mem>>) src(%arg4 : memref<40000xf32, #tpu.memory_space<vmem>>) dst(%dma_wait3A_107 : memref<40000xf32, #tpu.memory_space<hbm>>)
    %add3A_108 = arith.constant 160000 : i32
    %add3A_109 = arith.addi %multiple_of3A, %add3A_108 : i32
    %dma_start3A_110 = arith.constant 0 : i32
    %dma_start3A_111 = tpu.memref_slice %arg2[%add3A_109] : memref<6400000xf32, #tpu.memory_space<hbm>> -> memref<40000xf32, #tpu.memory_space<hbm>>
    %dma_start3A_112 = tpu.memref_slice %arg6[%dma_start3A_110] : memref<2x!tpu.dma_semaphore, #tpu.memory_space<semaphore_mem>> -> memref<1x!tpu.dma_semaphore, #tpu.memory_space<semaphore_mem>>
    %dma_start3A_113 = tpu.memref_squeeze %dma_start3A_112 : memref<1x!tpu.dma_semaphore, #tpu.memory_space<semaphore_mem>> -> memref<!tpu.dma_semaphore, #tpu.memory_space<semaphore_mem>>
    %dma_start3A_114 = tpu.memref_slice %arg2[%add3A_109] : memref<6400000xf32, #tpu.memory_space<hbm>> -> memref<40000xf32, #tpu.memory_space<hbm>>
    tpu.enqueue_dma source(%dma_start3A_114 : memref<40000xf32, #tpu.memory_space<hbm>>) target(%arg4 : memref<40000xf32, #tpu.memory_space<vmem>>) target_semaphore(%dma_start3A_113 : memref<!tpu.dma_semaphore, #tpu.memory_space<semaphore_mem>>)
    %add3A_115 = arith.constant 160000 : i32
    %add3A_116 = arith.addi %multiple_of3A, %add3A_115 : i32
    %dma_wait3A_117 = arith.constant 0 : i32
    %dma_wait3A_118 = tpu.memref_slice %arg2[%add3A_116] : memref<6400000xf32, #tpu.memory_space<hbm>> -> memref<40000xf32, #tpu.memory_space<hbm>>
    %dma_wait3A_119 = tpu.memref_slice %arg6[%dma_wait3A_117] : memref<2x!tpu.dma_semaphore, #tpu.memory_space<semaphore_mem>> -> memref<1x!tpu.dma_semaphore, #tpu.memory_space<semaphore_mem>>
    %dma_wait3A_120 = tpu.memref_squeeze %dma_wait3A_119 : memref<1x!tpu.dma_semaphore, #tpu.memory_space<semaphore_mem>> -> memref<!tpu.dma_semaphore, #tpu.memory_space<semaphore_mem>>
    %dma_wait3A_121 = tpu.memref_slice %arg2[%add3A_116] : memref<6400000xf32, #tpu.memory_space<hbm>> -> memref<40000xf32, #tpu.memory_space<hbm>>
    tpu.wait_dma2 semaphore(%dma_wait3A_120 : memref<!tpu.dma_semaphore, #tpu.memory_space<semaphore_mem>>) src(%dma_wait3A_121 : memref<40000xf32, #tpu.memory_space<hbm>>) dst(%arg4 : memref<40000xf32, #tpu.memory_space<vmem>>)
    %add3A_122 = arith.constant 160000 : i32
    %add3A_123 = arith.addi %multiple_of3A, %add3A_122 : i32
    %dma_start3A_124 = arith.constant 0 : i32
    %dma_start3A_125 = tpu.memref_slice %arg3[%add3A_123] : memref<6400000xf32, #tpu.memory_space<hbm>> -> memref<40000xf32, #tpu.memory_space<hbm>>
    %dma_start3A_126 = tpu.memref_slice %arg7[%dma_start3A_124] : memref<2x!tpu.dma_semaphore, #tpu.memory_space<semaphore_mem>> -> memref<1x!tpu.dma_semaphore, #tpu.memory_space<semaphore_mem>>
    %dma_start3A_127 = tpu.memref_squeeze %dma_start3A_126 : memref<1x!tpu.dma_semaphore, #tpu.memory_space<semaphore_mem>> -> memref<!tpu.dma_semaphore, #tpu.memory_space<semaphore_mem>>
    %dma_start3A_128 = tpu.memref_slice %arg3[%add3A_123] : memref<6400000xf32, #tpu.memory_space<hbm>> -> memref<40000xf32, #tpu.memory_space<hbm>>
    tpu.enqueue_dma source(%arg4 : memref<40000xf32, #tpu.memory_space<vmem>>) target(%dma_start3A_128 : memref<40000xf32, #tpu.memory_space<hbm>>) target_semaphore(%dma_start3A_127 : memref<!tpu.dma_semaphore, #tpu.memory_space<semaphore_mem>>)
    %add3A_129 = arith.constant 120000 : i32
    %add3A_130 = arith.addi %multiple_of3A, %add3A_129 : i32
    %dma_wait3A_131 = arith.constant 1 : i32
    %dma_wait3A_132 = tpu.memref_slice %arg3[%add3A_130] : memref<6400000xf32, #tpu.memory_space<hbm>> -> memref<40000xf32, #tpu.memory_space<hbm>>
    %dma_wait3A_133 = tpu.memref_slice %arg7[%dma_wait3A_131] : memref<2x!tpu.dma_semaphore, #tpu.memory_space<semaphore_mem>> -> memref<1x!tpu.dma_semaphore, #tpu.memory_space<semaphore_mem>>
    %dma_wait3A_134 = tpu.memref_squeeze %dma_wait3A_133 : memref<1x!tpu.dma_semaphore, #tpu.memory_space<semaphore_mem>> -> memref<!tpu.dma_semaphore, #tpu.memory_space<semaphore_mem>>
    %dma_wait3A_135 = tpu.memref_slice %arg3[%add3A_130] : memref<6400000xf32, #tpu.memory_space<hbm>> -> memref<40000xf32, #tpu.memory_space<hbm>>
    tpu.wait_dma2 semaphore(%dma_wait3A_134 : memref<!tpu.dma_semaphore, #tpu.memory_space<semaphore_mem>>) src(%arg5 : memref<40000xf32, #tpu.memory_space<vmem>>) dst(%dma_wait3A_135 : memref<40000xf32, #tpu.memory_space<hbm>>)
    %add3A_136 = arith.constant 160000 : i32
    %add3A_137 = arith.addi %multiple_of3A, %add3A_136 : i32
    %dma_wait3A_138 = arith.constant 0 : i32
    %dma_wait3A_139 = tpu.memref_slice %arg3[%add3A_137] : memref<6400000xf32, #tpu.memory_space<hbm>> -> memref<40000xf32, #tpu.memory_space<hbm>>
    %dma_wait3A_140 = tpu.memref_slice %arg7[%dma_wait3A_138] : memref<2x!tpu.dma_semaphore, #tpu.memory_space<semaphore_mem>> -> memref<1x!tpu.dma_semaphore, #tpu.memory_space<semaphore_mem>>
    %dma_wait3A_141 = tpu.memref_squeeze %dma_wait3A_140 : memref<1x!tpu.dma_semaphore, #tpu.memory_space<semaphore_mem>> -> memref<!tpu.dma_semaphore, #tpu.memory_space<semaphore_mem>>
    %dma_wait3A_142 = tpu.memref_slice %arg3[%add3A_137] : memref<6400000xf32, #tpu.memory_space<hbm>> -> memref<40000xf32, #tpu.memory_space<hbm>>
    tpu.wait_dma2 semaphore(%dma_wait3A_141 : memref<!tpu.dma_semaphore, #tpu.memory_space<semaphore_mem>>) src(%arg4 : memref<40000xf32, #tpu.memory_space<vmem>>) dst(%dma_wait3A_142 : memref<40000xf32, #tpu.memory_space<hbm>>)
    return
  }
}

module attributes {stable_mosaic.version = 14 : i64} {
  func.func @body(%arg0: i32, %arg1: memref<3200x128xf32, #tpu.memory_space<vmem>>, %arg2: memref<25x128x128xf32, #tpu.memory_space<vmem>>) attributes {dimension_semantics = [#tpu.dimension_semantics<arbitrary>], iteration_bounds = array<i64: 8>, scalar_prefetch = 0 : i64, scratch_operands = 0 : i64, tpu.core_type = #tpu.core_type<tc>, window_params = [{transform_indices = @transform_0, window_bounds = array<i64: 3200, 128>}, {transform_indices = @transform_1, window_bounds = array<i64: 25, 128, 128>}]} {
    %get3A = arith.constant 0 : index
    %get3A_0 = arith.constant 0 : index
    %get3A_1 = vector.load %arg1[%get3A, %get3A_0] : memref<3200x128xf32, #tpu.memory_space<vmem>>, vector<3200x128xf32>
    %reshape3A = vector.shape_cast %get3A_1 : vector<3200x128xf32> to vector<128x25x128xf32>
    %slice3A = vector.extract_strided_slice %reshape3A {offsets = [0, 0, 0], sizes = [128, 1, 128], strides = [1, 1, 1]} : vector<128x25x128xf32> to vector<128x1x128xf32>
    %squeeze3A = vector.shape_cast %slice3A : vector<128x1x128xf32> to vector<128x128xf32>
    %transpose3A = tpu.transpose %squeeze3A, [1, 0] : vector<128x128xf32> -> vector<128x128xf32>
    %swap3A = arith.constant 0 : index
    %swap3A_2 = arith.constant 0 : index
    %swap3A_3 = arith.constant 0 : index
    %swap3A_4 = vector.load %arg2[%swap3A, %swap3A_2, %swap3A_3] : memref<25x128x128xf32, #tpu.memory_space<vmem>>, vector<1x128x128xf32>
    %swap3A_5 = vector.shape_cast %swap3A_4 : vector<1x128x128xf32> to vector<128x128xf32>
    %swap3A_6 = vector.shape_cast %transpose3A : vector<128x128xf32> to vector<1x128x128xf32>
    tpu.vector_store %arg2[%swap3A, %swap3A_2, %swap3A_3], %swap3A_6 {strides = array<i32>} : memref<25x128x128xf32, #tpu.memory_space<vmem>>, vector<1x128x128xf32>,
    %slice3A_7 = vector.extract_strided_slice %reshape3A {offsets = [0, 1, 0], sizes = [128, 1, 128], strides = [1, 1, 1]} : vector<128x25x128xf32> to vector<128x1x128xf32>
    %squeeze3A_8 = vector.shape_cast %slice3A_7 : vector<128x1x128xf32> to vector<128x128xf32>
    %transpose3A_9 = tpu.transpose %squeeze3A_8, [1, 0] : vector<128x128xf32> -> vector<128x128xf32>
    %swap3A_10 = arith.constant 1 : index
    %swap3A_11 = arith.constant 0 : index
    %swap3A_12 = arith.constant 0 : index
    %swap3A_13 = vector.load %arg2[%swap3A_10, %swap3A_11, %swap3A_12] : memref<25x128x128xf32, #tpu.memory_space<vmem>>, vector<1x128x128xf32>
    %swap3A_14 = vector.shape_cast %swap3A_13 : vector<1x128x128xf32> to vector<128x128xf32>
    %swap3A_15 = vector.shape_cast %transpose3A_9 : vector<128x128xf32> to vector<1x128x128xf32>
    tpu.vector_store %arg2[%swap3A_10, %swap3A_11, %swap3A_12], %swap3A_15 {strides = array<i32>} : memref<25x128x128xf32, #tpu.memory_space<vmem>>, vector<1x128x128xf32>,
    %slice3A_16 = vector.extract_strided_slice %reshape3A {offsets = [0, 2, 0], sizes = [128, 1, 128], strides = [1, 1, 1]} : vector<128x25x128xf32> to vector<128x1x128xf32>
    %squeeze3A_17 = vector.shape_cast %slice3A_16 : vector<128x1x128xf32> to vector<128x128xf32>
    %transpose3A_18 = tpu.transpose %squeeze3A_17, [1, 0] : vector<128x128xf32> -> vector<128x128xf32>
    %swap3A_19 = arith.constant 2 : index
    %swap3A_20 = arith.constant 0 : index
    %swap3A_21 = arith.constant 0 : index
    %swap3A_22 = vector.load %arg2[%swap3A_19, %swap3A_20, %swap3A_21] : memref<25x128x128xf32, #tpu.memory_space<vmem>>, vector<1x128x128xf32>
    %swap3A_23 = vector.shape_cast %swap3A_22 : vector<1x128x128xf32> to vector<128x128xf32>
    %swap3A_24 = vector.shape_cast %transpose3A_18 : vector<128x128xf32> to vector<1x128x128xf32>
    tpu.vector_store %arg2[%swap3A_19, %swap3A_20, %swap3A_21], %swap3A_24 {strides = array<i32>} : memref<25x128x128xf32, #tpu.memory_space<vmem>>, vector<1x128x128xf32>,
    %slice3A_25 = vector.extract_strided_slice %reshape3A {offsets = [0, 3, 0], sizes = [128, 1, 128], strides = [1, 1, 1]} : vector<128x25x128xf32> to vector<128x1x128xf32>
    %squeeze3A_26 = vector.shape_cast %slice3A_25 : vector<128x1x128xf32> to vector<128x128xf32>
    %transpose3A_27 = tpu.transpose %squeeze3A_26, [1, 0] : vector<128x128xf32> -> vector<128x128xf32>
    %swap3A_28 = arith.constant 3 : index
    %swap3A_29 = arith.constant 0 : index
    %swap3A_30 = arith.constant 0 : index
    %swap3A_31 = vector.load %arg2[%swap3A_28, %swap3A_29, %swap3A_30] : memref<25x128x128xf32, #tpu.memory_space<vmem>>, vector<1x128x128xf32>
    %swap3A_32 = vector.shape_cast %swap3A_31 : vector<1x128x128xf32> to vector<128x128xf32>
    %swap3A_33 = vector.shape_cast %transpose3A_27 : vector<128x128xf32> to vector<1x128x128xf32>
    tpu.vector_store %arg2[%swap3A_28, %swap3A_29, %swap3A_30], %swap3A_33 {strides = array<i32>} : memref<25x128x128xf32, #tpu.memory_space<vmem>>, vector<1x128x128xf32>,
    %slice3A_34 = vector.extract_strided_slice %reshape3A {offsets = [0, 4, 0], sizes = [128, 1, 128], strides = [1, 1, 1]} : vector<128x25x128xf32> to vector<128x1x128xf32>
    %squeeze3A_35 = vector.shape_cast %slice3A_34 : vector<128x1x128xf32> to vector<128x128xf32>
    %transpose3A_36 = tpu.transpose %squeeze3A_35, [1, 0] : vector<128x128xf32> -> vector<128x128xf32>
    %swap3A_37 = arith.constant 4 : index
    %swap3A_38 = arith.constant 0 : index
    %swap3A_39 = arith.constant 0 : index
    %swap3A_40 = vector.load %arg2[%swap3A_37, %swap3A_38, %swap3A_39] : memref<25x128x128xf32, #tpu.memory_space<vmem>>, vector<1x128x128xf32>
    %swap3A_41 = vector.shape_cast %swap3A_40 : vector<1x128x128xf32> to vector<128x128xf32>
    %swap3A_42 = vector.shape_cast %transpose3A_36 : vector<128x128xf32> to vector<1x128x128xf32>
    tpu.vector_store %arg2[%swap3A_37, %swap3A_38, %swap3A_39], %swap3A_42 {strides = array<i32>} : memref<25x128x128xf32, #tpu.memory_space<vmem>>, vector<1x128x128xf32>,
    %slice3A_43 = vector.extract_strided_slice %reshape3A {offsets = [0, 5, 0], sizes = [128, 1, 128], strides = [1, 1, 1]} : vector<128x25x128xf32> to vector<128x1x128xf32>
    %squeeze3A_44 = vector.shape_cast %slice3A_43 : vector<128x1x128xf32> to vector<128x128xf32>
    %transpose3A_45 = tpu.transpose %squeeze3A_44, [1, 0] : vector<128x128xf32> -> vector<128x128xf32>
    %swap3A_46 = arith.constant 5 : index
    %swap3A_47 = arith.constant 0 : index
    %swap3A_48 = arith.constant 0 : index
    %swap3A_49 = vector.load %arg2[%swap3A_46, %swap3A_47, %swap3A_48] : memref<25x128x128xf32, #tpu.memory_space<vmem>>, vector<1x128x128xf32>
    %swap3A_50 = vector.shape_cast %swap3A_49 : vector<1x128x128xf32> to vector<128x128xf32>
    %swap3A_51 = vector.shape_cast %transpose3A_45 : vector<128x128xf32> to vector<1x128x128xf32>
    tpu.vector_store %arg2[%swap3A_46, %swap3A_47, %swap3A_48], %swap3A_51 {strides = array<i32>} : memref<25x128x128xf32, #tpu.memory_space<vmem>>, vector<1x128x128xf32>,
    %slice3A_52 = vector.extract_strided_slice %reshape3A {offsets = [0, 6, 0], sizes = [128, 1, 128], strides = [1, 1, 1]} : vector<128x25x128xf32> to vector<128x1x128xf32>
    %squeeze3A_53 = vector.shape_cast %slice3A_52 : vector<128x1x128xf32> to vector<128x128xf32>
    %transpose3A_54 = tpu.transpose %squeeze3A_53, [1, 0] : vector<128x128xf32> -> vector<128x128xf32>
    %swap3A_55 = arith.constant 6 : index
    %swap3A_56 = arith.constant 0 : index
    %swap3A_57 = arith.constant 0 : index
    %swap3A_58 = vector.load %arg2[%swap3A_55, %swap3A_56, %swap3A_57] : memref<25x128x128xf32, #tpu.memory_space<vmem>>, vector<1x128x128xf32>
    %swap3A_59 = vector.shape_cast %swap3A_58 : vector<1x128x128xf32> to vector<128x128xf32>
    %swap3A_60 = vector.shape_cast %transpose3A_54 : vector<128x128xf32> to vector<1x128x128xf32>
    tpu.vector_store %arg2[%swap3A_55, %swap3A_56, %swap3A_57], %swap3A_60 {strides = array<i32>} : memref<25x128x128xf32, #tpu.memory_space<vmem>>, vector<1x128x128xf32>,
    %slice3A_61 = vector.extract_strided_slice %reshape3A {offsets = [0, 7, 0], sizes = [128, 1, 128], strides = [1, 1, 1]} : vector<128x25x128xf32> to vector<128x1x128xf32>
    %squeeze3A_62 = vector.shape_cast %slice3A_61 : vector<128x1x128xf32> to vector<128x128xf32>
    %transpose3A_63 = tpu.transpose %squeeze3A_62, [1, 0] : vector<128x128xf32> -> vector<128x128xf32>
    %swap3A_64 = arith.constant 7 : index
    %swap3A_65 = arith.constant 0 : index
    %swap3A_66 = arith.constant 0 : index
    %swap3A_67 = vector.load %arg2[%swap3A_64, %swap3A_65, %swap3A_66] : memref<25x128x128xf32, #tpu.memory_space<vmem>>, vector<1x128x128xf32>
    %swap3A_68 = vector.shape_cast %swap3A_67 : vector<1x128x128xf32> to vector<128x128xf32>
    %swap3A_69 = vector.shape_cast %transpose3A_63 : vector<128x128xf32> to vector<1x128x128xf32>
    tpu.vector_store %arg2[%swap3A_64, %swap3A_65, %swap3A_66], %swap3A_69 {strides = array<i32>} : memref<25x128x128xf32, #tpu.memory_space<vmem>>, vector<1x128x128xf32>,
    %slice3A_70 = vector.extract_strided_slice %reshape3A {offsets = [0, 8, 0], sizes = [128, 1, 128], strides = [1, 1, 1]} : vector<128x25x128xf32> to vector<128x1x128xf32>
    %squeeze3A_71 = vector.shape_cast %slice3A_70 : vector<128x1x128xf32> to vector<128x128xf32>
    %transpose3A_72 = tpu.transpose %squeeze3A_71, [1, 0] : vector<128x128xf32> -> vector<128x128xf32>
    %swap3A_73 = arith.constant 8 : index
    %swap3A_74 = arith.constant 0 : index
    %swap3A_75 = arith.constant 0 : index
    %swap3A_76 = vector.load %arg2[%swap3A_73, %swap3A_74, %swap3A_75] : memref<25x128x128xf32, #tpu.memory_space<vmem>>, vector<1x128x128xf32>
    %swap3A_77 = vector.shape_cast %swap3A_76 : vector<1x128x128xf32> to vector<128x128xf32>
    %swap3A_78 = vector.shape_cast %transpose3A_72 : vector<128x128xf32> to vector<1x128x128xf32>
    tpu.vector_store %arg2[%swap3A_73, %swap3A_74, %swap3A_75], %swap3A_78 {strides = array<i32>} : memref<25x128x128xf32, #tpu.memory_space<vmem>>, vector<1x128x128xf32>,
    %slice3A_79 = vector.extract_strided_slice %reshape3A {offsets = [0, 9, 0], sizes = [128, 1, 128], strides = [1, 1, 1]} : vector<128x25x128xf32> to vector<128x1x128xf32>
    %squeeze3A_80 = vector.shape_cast %slice3A_79 : vector<128x1x128xf32> to vector<128x128xf32>
    %transpose3A_81 = tpu.transpose %squeeze3A_80, [1, 0] : vector<128x128xf32> -> vector<128x128xf32>
    %swap3A_82 = arith.constant 9 : index
    %swap3A_83 = arith.constant 0 : index
    %swap3A_84 = arith.constant 0 : index
    %swap3A_85 = vector.load %arg2[%swap3A_82, %swap3A_83, %swap3A_84] : memref<25x128x128xf32, #tpu.memory_space<vmem>>, vector<1x128x128xf32>
    %swap3A_86 = vector.shape_cast %swap3A_85 : vector<1x128x128xf32> to vector<128x128xf32>
    %swap3A_87 = vector.shape_cast %transpose3A_81 : vector<128x128xf32> to vector<1x128x128xf32>
    tpu.vector_store %arg2[%swap3A_82, %swap3A_83, %swap3A_84], %swap3A_87 {strides = array<i32>} : memref<25x128x128xf32, #tpu.memory_space<vmem>>, vector<1x128x128xf32>,
    %slice3A_88 = vector.extract_strided_slice %reshape3A {offsets = [0, 10, 0], sizes = [128, 1, 128], strides = [1, 1, 1]} : vector<128x25x128xf32> to vector<128x1x128xf32>
    %squeeze3A_89 = vector.shape_cast %slice3A_88 : vector<128x1x128xf32> to vector<128x128xf32>
    %transpose3A_90 = tpu.transpose %squeeze3A_89, [1, 0] : vector<128x128xf32> -> vector<128x128xf32>
    %swap3A_91 = arith.constant 10 : index
    %swap3A_92 = arith.constant 0 : index
    %swap3A_93 = arith.constant 0 : index
    %swap3A_94 = vector.load %arg2[%swap3A_91, %swap3A_92, %swap3A_93] : memref<25x128x128xf32, #tpu.memory_space<vmem>>, vector<1x128x128xf32>
    %swap3A_95 = vector.shape_cast %swap3A_94 : vector<1x128x128xf32> to vector<128x128xf32>
    %swap3A_96 = vector.shape_cast %transpose3A_90 : vector<128x128xf32> to vector<1x128x128xf32>
    tpu.vector_store %arg2[%swap3A_91, %swap3A_92, %swap3A_93], %swap3A_96 {strides = array<i32>} : memref<25x128x128xf32, #tpu.memory_space<vmem>>, vector<1x128x128xf32>,
    %slice3A_97 = vector.extract_strided_slice %reshape3A {offsets = [0, 11, 0], sizes = [128, 1, 128], strides = [1, 1, 1]} : vector<128x25x128xf32> to vector<128x1x128xf32>
    %squeeze3A_98 = vector.shape_cast %slice3A_97 : vector<128x1x128xf32> to vector<128x128xf32>
    %transpose3A_99 = tpu.transpose %squeeze3A_98, [1, 0] : vector<128x128xf32> -> vector<128x128xf32>
    %swap3A_100 = arith.constant 11 : index
    %swap3A_101 = arith.constant 0 : index
    %swap3A_102 = arith.constant 0 : index
    %swap3A_103 = vector.load %arg2[%swap3A_100, %swap3A_101, %swap3A_102] : memref<25x128x128xf32, #tpu.memory_space<vmem>>, vector<1x128x128xf32>
    %swap3A_104 = vector.shape_cast %swap3A_103 : vector<1x128x128xf32> to vector<128x128xf32>
    %swap3A_105 = vector.shape_cast %transpose3A_99 : vector<128x128xf32> to vector<1x128x128xf32>
    tpu.vector_store %arg2[%swap3A_100, %swap3A_101, %swap3A_102], %swap3A_105 {strides = array<i32>} : memref<25x128x128xf32, #tpu.memory_space<vmem>>, vector<1x128x128xf32>,
    %slice3A_106 = vector.extract_strided_slice %reshape3A {offsets = [0, 12, 0], sizes = [128, 1, 128], strides = [1, 1, 1]} : vector<128x25x128xf32> to vector<128x1x128xf32>
    %squeeze3A_107 = vector.shape_cast %slice3A_106 : vector<128x1x128xf32> to vector<128x128xf32>
    %transpose3A_108 = tpu.transpose %squeeze3A_107, [1, 0] : vector<128x128xf32> -> vector<128x128xf32>
    %swap3A_109 = arith.constant 12 : index
    %swap3A_110 = arith.constant 0 : index
    %swap3A_111 = arith.constant 0 : index
    %swap3A_112 = vector.load %arg2[%swap3A_109, %swap3A_110, %swap3A_111] : memref<25x128x128xf32, #tpu.memory_space<vmem>>, vector<1x128x128xf32>
    %swap3A_113 = vector.shape_cast %swap3A_112 : vector<1x128x128xf32> to vector<128x128xf32>
    %swap3A_114 = vector.shape_cast %transpose3A_108 : vector<128x128xf32> to vector<1x128x128xf32>
    tpu.vector_store %arg2[%swap3A_109, %swap3A_110, %swap3A_111], %swap3A_114 {strides = array<i32>} : memref<25x128x128xf32, #tpu.memory_space<vmem>>, vector<1x128x128xf32>,
    %slice3A_115 = vector.extract_strided_slice %reshape3A {offsets = [0, 13, 0], sizes = [128, 1, 128], strides = [1, 1, 1]} : vector<128x25x128xf32> to vector<128x1x128xf32>
    %squeeze3A_116 = vector.shape_cast %slice3A_115 : vector<128x1x128xf32> to vector<128x128xf32>
    %transpose3A_117 = tpu.transpose %squeeze3A_116, [1, 0] : vector<128x128xf32> -> vector<128x128xf32>
    %swap3A_118 = arith.constant 13 : index
    %swap3A_119 = arith.constant 0 : index
    %swap3A_120 = arith.constant 0 : index
    %swap3A_121 = vector.load %arg2[%swap3A_118, %swap3A_119, %swap3A_120] : memref<25x128x128xf32, #tpu.memory_space<vmem>>, vector<1x128x128xf32>
    %swap3A_122 = vector.shape_cast %swap3A_121 : vector<1x128x128xf32> to vector<128x128xf32>
    %swap3A_123 = vector.shape_cast %transpose3A_117 : vector<128x128xf32> to vector<1x128x128xf32>
    tpu.vector_store %arg2[%swap3A_118, %swap3A_119, %swap3A_120], %swap3A_123 {strides = array<i32>} : memref<25x128x128xf32, #tpu.memory_space<vmem>>, vector<1x128x128xf32>,
    %slice3A_124 = vector.extract_strided_slice %reshape3A {offsets = [0, 14, 0], sizes = [128, 1, 128], strides = [1, 1, 1]} : vector<128x25x128xf32> to vector<128x1x128xf32>
    %squeeze3A_125 = vector.shape_cast %slice3A_124 : vector<128x1x128xf32> to vector<128x128xf32>
    %transpose3A_126 = tpu.transpose %squeeze3A_125, [1, 0] : vector<128x128xf32> -> vector<128x128xf32>
    %swap3A_127 = arith.constant 14 : index
    %swap3A_128 = arith.constant 0 : index
    %swap3A_129 = arith.constant 0 : index
    %swap3A_130 = vector.load %arg2[%swap3A_127, %swap3A_128, %swap3A_129] : memref<25x128x128xf32, #tpu.memory_space<vmem>>, vector<1x128x128xf32>
    %swap3A_131 = vector.shape_cast %swap3A_130 : vector<1x128x128xf32> to vector<128x128xf32>
    %swap3A_132 = vector.shape_cast %transpose3A_126 : vector<128x128xf32> to vector<1x128x128xf32>
    tpu.vector_store %arg2[%swap3A_127, %swap3A_128, %swap3A_129], %swap3A_132 {strides = array<i32>} : memref<25x128x128xf32, #tpu.memory_space<vmem>>, vector<1x128x128xf32>,
    %slice3A_133 = vector.extract_strided_slice %reshape3A {offsets = [0, 15, 0], sizes = [128, 1, 128], strides = [1, 1, 1]} : vector<128x25x128xf32> to vector<128x1x128xf32>
    %squeeze3A_134 = vector.shape_cast %slice3A_133 : vector<128x1x128xf32> to vector<128x128xf32>
    %transpose3A_135 = tpu.transpose %squeeze3A_134, [1, 0] : vector<128x128xf32> -> vector<128x128xf32>
    %swap3A_136 = arith.constant 15 : index
    %swap3A_137 = arith.constant 0 : index
    %swap3A_138 = arith.constant 0 : index
    %swap3A_139 = vector.load %arg2[%swap3A_136, %swap3A_137, %swap3A_138] : memref<25x128x128xf32, #tpu.memory_space<vmem>>, vector<1x128x128xf32>
    %swap3A_140 = vector.shape_cast %swap3A_139 : vector<1x128x128xf32> to vector<128x128xf32>
    %swap3A_141 = vector.shape_cast %transpose3A_135 : vector<128x128xf32> to vector<1x128x128xf32>
    tpu.vector_store %arg2[%swap3A_136, %swap3A_137, %swap3A_138], %swap3A_141 {strides = array<i32>} : memref<25x128x128xf32, #tpu.memory_space<vmem>>, vector<1x128x128xf32>,
    %slice3A_142 = vector.extract_strided_slice %reshape3A {offsets = [0, 16, 0], sizes = [128, 1, 128], strides = [1, 1, 1]} : vector<128x25x128xf32> to vector<128x1x128xf32>
    %squeeze3A_143 = vector.shape_cast %slice3A_142 : vector<128x1x128xf32> to vector<128x128xf32>
    %transpose3A_144 = tpu.transpose %squeeze3A_143, [1, 0] : vector<128x128xf32> -> vector<128x128xf32>
    %swap3A_145 = arith.constant 16 : index
    %swap3A_146 = arith.constant 0 : index
    %swap3A_147 = arith.constant 0 : index
    %swap3A_148 = vector.load %arg2[%swap3A_145, %swap3A_146, %swap3A_147] : memref<25x128x128xf32, #tpu.memory_space<vmem>>, vector<1x128x128xf32>
    %swap3A_149 = vector.shape_cast %swap3A_148 : vector<1x128x128xf32> to vector<128x128xf32>
    %swap3A_150 = vector.shape_cast %transpose3A_144 : vector<128x128xf32> to vector<1x128x128xf32>
    tpu.vector_store %arg2[%swap3A_145, %swap3A_146, %swap3A_147], %swap3A_150 {strides = array<i32>} : memref<25x128x128xf32, #tpu.memory_space<vmem>>, vector<1x128x128xf32>,
    %slice3A_151 = vector.extract_strided_slice %reshape3A {offsets = [0, 17, 0], sizes = [128, 1, 128], strides = [1, 1, 1]} : vector<128x25x128xf32> to vector<128x1x128xf32>
    %squeeze3A_152 = vector.shape_cast %slice3A_151 : vector<128x1x128xf32> to vector<128x128xf32>
    %transpose3A_153 = tpu.transpose %squeeze3A_152, [1, 0] : vector<128x128xf32> -> vector<128x128xf32>
    %swap3A_154 = arith.constant 17 : index
    %swap3A_155 = arith.constant 0 : index
    %swap3A_156 = arith.constant 0 : index
    %swap3A_157 = vector.load %arg2[%swap3A_154, %swap3A_155, %swap3A_156] : memref<25x128x128xf32, #tpu.memory_space<vmem>>, vector<1x128x128xf32>
    %swap3A_158 = vector.shape_cast %swap3A_157 : vector<1x128x128xf32> to vector<128x128xf32>
    %swap3A_159 = vector.shape_cast %transpose3A_153 : vector<128x128xf32> to vector<1x128x128xf32>
    tpu.vector_store %arg2[%swap3A_154, %swap3A_155, %swap3A_156], %swap3A_159 {strides = array<i32>} : memref<25x128x128xf32, #tpu.memory_space<vmem>>, vector<1x128x128xf32>,
    %slice3A_160 = vector.extract_strided_slice %reshape3A {offsets = [0, 18, 0], sizes = [128, 1, 128], strides = [1, 1, 1]} : vector<128x25x128xf32> to vector<128x1x128xf32>
    %squeeze3A_161 = vector.shape_cast %slice3A_160 : vector<128x1x128xf32> to vector<128x128xf32>
    %transpose3A_162 = tpu.transpose %squeeze3A_161, [1, 0] : vector<128x128xf32> -> vector<128x128xf32>
    %swap3A_163 = arith.constant 18 : index
    %swap3A_164 = arith.constant 0 : index
    %swap3A_165 = arith.constant 0 : index
    %swap3A_166 = vector.load %arg2[%swap3A_163, %swap3A_164, %swap3A_165] : memref<25x128x128xf32, #tpu.memory_space<vmem>>, vector<1x128x128xf32>
    %swap3A_167 = vector.shape_cast %swap3A_166 : vector<1x128x128xf32> to vector<128x128xf32>
    %swap3A_168 = vector.shape_cast %transpose3A_162 : vector<128x128xf32> to vector<1x128x128xf32>
    tpu.vector_store %arg2[%swap3A_163, %swap3A_164, %swap3A_165], %swap3A_168 {strides = array<i32>} : memref<25x128x128xf32, #tpu.memory_space<vmem>>, vector<1x128x128xf32>,
    %slice3A_169 = vector.extract_strided_slice %reshape3A {offsets = [0, 19, 0], sizes = [128, 1, 128], strides = [1, 1, 1]} : vector<128x25x128xf32> to vector<128x1x128xf32>
    %squeeze3A_170 = vector.shape_cast %slice3A_169 : vector<128x1x128xf32> to vector<128x128xf32>
    %transpose3A_171 = tpu.transpose %squeeze3A_170, [1, 0] : vector<128x128xf32> -> vector<128x128xf32>
    %swap3A_172 = arith.constant 19 : index
    %swap3A_173 = arith.constant 0 : index
    %swap3A_174 = arith.constant 0 : index
    %swap3A_175 = vector.load %arg2[%swap3A_172, %swap3A_173, %swap3A_174] : memref<25x128x128xf32, #tpu.memory_space<vmem>>, vector<1x128x128xf32>
    %swap3A_176 = vector.shape_cast %swap3A_175 : vector<1x128x128xf32> to vector<128x128xf32>
    %swap3A_177 = vector.shape_cast %transpose3A_171 : vector<128x128xf32> to vector<1x128x128xf32>
    tpu.vector_store %arg2[%swap3A_172, %swap3A_173, %swap3A_174], %swap3A_177 {strides = array<i32>} : memref<25x128x128xf32, #tpu.memory_space<vmem>>, vector<1x128x128xf32>,
    %slice3A_178 = vector.extract_strided_slice %reshape3A {offsets = [0, 20, 0], sizes = [128, 1, 128], strides = [1, 1, 1]} : vector<128x25x128xf32> to vector<128x1x128xf32>
    %squeeze3A_179 = vector.shape_cast %slice3A_178 : vector<128x1x128xf32> to vector<128x128xf32>
    %transpose3A_180 = tpu.transpose %squeeze3A_179, [1, 0] : vector<128x128xf32> -> vector<128x128xf32>
    %swap3A_181 = arith.constant 20 : index
    %swap3A_182 = arith.constant 0 : index
    %swap3A_183 = arith.constant 0 : index
    %swap3A_184 = vector.load %arg2[%swap3A_181, %swap3A_182, %swap3A_183] : memref<25x128x128xf32, #tpu.memory_space<vmem>>, vector<1x128x128xf32>
    %swap3A_185 = vector.shape_cast %swap3A_184 : vector<1x128x128xf32> to vector<128x128xf32>
    %swap3A_186 = vector.shape_cast %transpose3A_180 : vector<128x128xf32> to vector<1x128x128xf32>
    tpu.vector_store %arg2[%swap3A_181, %swap3A_182, %swap3A_183], %swap3A_186 {strides = array<i32>} : memref<25x128x128xf32, #tpu.memory_space<vmem>>, vector<1x128x128xf32>,
    %slice3A_187 = vector.extract_strided_slice %reshape3A {offsets = [0, 21, 0], sizes = [128, 1, 128], strides = [1, 1, 1]} : vector<128x25x128xf32> to vector<128x1x128xf32>
    %squeeze3A_188 = vector.shape_cast %slice3A_187 : vector<128x1x128xf32> to vector<128x128xf32>
    %transpose3A_189 = tpu.transpose %squeeze3A_188, [1, 0] : vector<128x128xf32> -> vector<128x128xf32>
    %swap3A_190 = arith.constant 21 : index
    %swap3A_191 = arith.constant 0 : index
    %swap3A_192 = arith.constant 0 : index
    %swap3A_193 = vector.load %arg2[%swap3A_190, %swap3A_191, %swap3A_192] : memref<25x128x128xf32, #tpu.memory_space<vmem>>, vector<1x128x128xf32>
    %swap3A_194 = vector.shape_cast %swap3A_193 : vector<1x128x128xf32> to vector<128x128xf32>
    %swap3A_195 = vector.shape_cast %transpose3A_189 : vector<128x128xf32> to vector<1x128x128xf32>
    tpu.vector_store %arg2[%swap3A_190, %swap3A_191, %swap3A_192], %swap3A_195 {strides = array<i32>} : memref<25x128x128xf32, #tpu.memory_space<vmem>>, vector<1x128x128xf32>,
    %slice3A_196 = vector.extract_strided_slice %reshape3A {offsets = [0, 22, 0], sizes = [128, 1, 128], strides = [1, 1, 1]} : vector<128x25x128xf32> to vector<128x1x128xf32>
    %squeeze3A_197 = vector.shape_cast %slice3A_196 : vector<128x1x128xf32> to vector<128x128xf32>
    %transpose3A_198 = tpu.transpose %squeeze3A_197, [1, 0] : vector<128x128xf32> -> vector<128x128xf32>
    %swap3A_199 = arith.constant 22 : index
    %swap3A_200 = arith.constant 0 : index
    %swap3A_201 = arith.constant 0 : index
    %swap3A_202 = vector.load %arg2[%swap3A_199, %swap3A_200, %swap3A_201] : memref<25x128x128xf32, #tpu.memory_space<vmem>>, vector<1x128x128xf32>
    %swap3A_203 = vector.shape_cast %swap3A_202 : vector<1x128x128xf32> to vector<128x128xf32>
    %swap3A_204 = vector.shape_cast %transpose3A_198 : vector<128x128xf32> to vector<1x128x128xf32>
    tpu.vector_store %arg2[%swap3A_199, %swap3A_200, %swap3A_201], %swap3A_204 {strides = array<i32>} : memref<25x128x128xf32, #tpu.memory_space<vmem>>, vector<1x128x128xf32>,
    %slice3A_205 = vector.extract_strided_slice %reshape3A {offsets = [0, 23, 0], sizes = [128, 1, 128], strides = [1, 1, 1]} : vector<128x25x128xf32> to vector<128x1x128xf32>
    %squeeze3A_206 = vector.shape_cast %slice3A_205 : vector<128x1x128xf32> to vector<128x128xf32>
    %transpose3A_207 = tpu.transpose %squeeze3A_206, [1, 0] : vector<128x128xf32> -> vector<128x128xf32>
    %swap3A_208 = arith.constant 23 : index
    %swap3A_209 = arith.constant 0 : index
    %swap3A_210 = arith.constant 0 : index
    %swap3A_211 = vector.load %arg2[%swap3A_208, %swap3A_209, %swap3A_210] : memref<25x128x128xf32, #tpu.memory_space<vmem>>, vector<1x128x128xf32>
    %swap3A_212 = vector.shape_cast %swap3A_211 : vector<1x128x128xf32> to vector<128x128xf32>
    %swap3A_213 = vector.shape_cast %transpose3A_207 : vector<128x128xf32> to vector<1x128x128xf32>
    tpu.vector_store %arg2[%swap3A_208, %swap3A_209, %swap3A_210], %swap3A_213 {strides = array<i32>} : memref<25x128x128xf32, #tpu.memory_space<vmem>>, vector<1x128x128xf32>,
    %slice3A_214 = vector.extract_strided_slice %reshape3A {offsets = [0, 24, 0], sizes = [128, 1, 128], strides = [1, 1, 1]} : vector<128x25x128xf32> to vector<128x1x128xf32>
    %squeeze3A_215 = vector.shape_cast %slice3A_214 : vector<128x1x128xf32> to vector<128x128xf32>
    %transpose3A_216 = tpu.transpose %squeeze3A_215, [1, 0] : vector<128x128xf32> -> vector<128x128xf32>
    %swap3A_217 = arith.constant 24 : index
    %swap3A_218 = arith.constant 0 : index
    %swap3A_219 = arith.constant 0 : index
    %swap3A_220 = vector.load %arg2[%swap3A_217, %swap3A_218, %swap3A_219] : memref<25x128x128xf32, #tpu.memory_space<vmem>>, vector<1x128x128xf32>
    %swap3A_221 = vector.shape_cast %swap3A_220 : vector<1x128x128xf32> to vector<128x128xf32>
    %swap3A_222 = vector.shape_cast %transpose3A_216 : vector<128x128xf32> to vector<1x128x128xf32>
    tpu.vector_store %arg2[%swap3A_217, %swap3A_218, %swap3A_219], %swap3A_222 {strides = array<i32>} : memref<25x128x128xf32, #tpu.memory_space<vmem>>, vector<1x128x128xf32>,
    return
  }
  func.func @transform_0(%arg0: i32) -> (i32, i32) {
    %c0_i32 = arith.constant 0 : i32
    %c0_i32_0 = arith.constant 0 : i32
    return %arg0, %c0_i32 : i32, i32
  }
  func.func @transform_1(%arg0: i32) -> (i32, i32, i32) {
    %c0_i32 = arith.constant 0 : i32
    %c0_i32_0 = arith.constant 0 : i32
    %c0_i32_1 = arith.constant 0 : i32
    return %c0_i32, %c0_i32_0, %arg0 : i32, i32, i32
  }
}

module attributes {stable_mosaic.version = 14 : i64} {
  func.func @body(%arg0: i32, %arg1: memref<1280x128xf32, #tpu.memory_space<vmem>>, %arg2: memref<10x128x128xf32, #tpu.memory_space<vmem>>) attributes {dimension_semantics = [#tpu.dimension_semantics<arbitrary>], iteration_bounds = array<i64: 400>, scalar_prefetch = 0 : i64, scratch_operands = 0 : i64, tpu.core_type = #tpu.core_type<tc>, window_params = [{transform_indices = @transform_0, window_bounds = array<i64: 1280, 128>}, {transform_indices = @transform_1, window_bounds = array<i64: 10, 128, 128>}]} {
    %get3A = arith.constant 0 : index
    %get3A_0 = arith.constant 0 : index
    %get3A_1 = vector.load %arg1[%get3A, %get3A_0] : memref<1280x128xf32, #tpu.memory_space<vmem>>, vector<1280x128xf32>
    %reshape3A = vector.shape_cast %get3A_1 : vector<1280x128xf32> to vector<128x10x128xf32>
    %slice3A = vector.extract_strided_slice %reshape3A {offsets = [0, 0, 0], sizes = [128, 1, 128], strides = [1, 1, 1]} : vector<128x10x128xf32> to vector<128x1x128xf32>
    %squeeze3A = vector.shape_cast %slice3A : vector<128x1x128xf32> to vector<128x128xf32>
    %transpose3A = tpu.transpose %squeeze3A, [1, 0] : vector<128x128xf32> -> vector<128x128xf32>
    %swap3A = arith.constant 0 : index
    %swap3A_2 = arith.constant 0 : index
    %swap3A_3 = arith.constant 0 : index
    %swap3A_4 = vector.load %arg2[%swap3A, %swap3A_2, %swap3A_3] : memref<10x128x128xf32, #tpu.memory_space<vmem>>, vector<1x128x128xf32>
    %swap3A_5 = vector.shape_cast %swap3A_4 : vector<1x128x128xf32> to vector<128x128xf32>
    %swap3A_6 = vector.shape_cast %transpose3A : vector<128x128xf32> to vector<1x128x128xf32>
    tpu.vector_store %arg2[%swap3A, %swap3A_2, %swap3A_3], %swap3A_6 {strides = array<i32>} : memref<10x128x128xf32, #tpu.memory_space<vmem>>, vector<1x128x128xf32>,
    %slice3A_7 = vector.extract_strided_slice %reshape3A {offsets = [0, 1, 0], sizes = [128, 1, 128], strides = [1, 1, 1]} : vector<128x10x128xf32> to vector<128x1x128xf32>
    %squeeze3A_8 = vector.shape_cast %slice3A_7 : vector<128x1x128xf32> to vector<128x128xf32>
    %transpose3A_9 = tpu.transpose %squeeze3A_8, [1, 0] : vector<128x128xf32> -> vector<128x128xf32>
    %swap3A_10 = arith.constant 1 : index
    %swap3A_11 = arith.constant 0 : index
    %swap3A_12 = arith.constant 0 : index
    %swap3A_13 = vector.load %arg2[%swap3A_10, %swap3A_11, %swap3A_12] : memref<10x128x128xf32, #tpu.memory_space<vmem>>, vector<1x128x128xf32>
    %swap3A_14 = vector.shape_cast %swap3A_13 : vector<1x128x128xf32> to vector<128x128xf32>
    %swap3A_15 = vector.shape_cast %transpose3A_9 : vector<128x128xf32> to vector<1x128x128xf32>
    tpu.vector_store %arg2[%swap3A_10, %swap3A_11, %swap3A_12], %swap3A_15 {strides = array<i32>} : memref<10x128x128xf32, #tpu.memory_space<vmem>>, vector<1x128x128xf32>,
    %slice3A_16 = vector.extract_strided_slice %reshape3A {offsets = [0, 2, 0], sizes = [128, 1, 128], strides = [1, 1, 1]} : vector<128x10x128xf32> to vector<128x1x128xf32>
    %squeeze3A_17 = vector.shape_cast %slice3A_16 : vector<128x1x128xf32> to vector<128x128xf32>
    %transpose3A_18 = tpu.transpose %squeeze3A_17, [1, 0] : vector<128x128xf32> -> vector<128x128xf32>
    %swap3A_19 = arith.constant 2 : index
    %swap3A_20 = arith.constant 0 : index
    %swap3A_21 = arith.constant 0 : index
    %swap3A_22 = vector.load %arg2[%swap3A_19, %swap3A_20, %swap3A_21] : memref<10x128x128xf32, #tpu.memory_space<vmem>>, vector<1x128x128xf32>
    %swap3A_23 = vector.shape_cast %swap3A_22 : vector<1x128x128xf32> to vector<128x128xf32>
    %swap3A_24 = vector.shape_cast %transpose3A_18 : vector<128x128xf32> to vector<1x128x128xf32>
    tpu.vector_store %arg2[%swap3A_19, %swap3A_20, %swap3A_21], %swap3A_24 {strides = array<i32>} : memref<10x128x128xf32, #tpu.memory_space<vmem>>, vector<1x128x128xf32>,
    %slice3A_25 = vector.extract_strided_slice %reshape3A {offsets = [0, 3, 0], sizes = [128, 1, 128], strides = [1, 1, 1]} : vector<128x10x128xf32> to vector<128x1x128xf32>
    %squeeze3A_26 = vector.shape_cast %slice3A_25 : vector<128x1x128xf32> to vector<128x128xf32>
    %transpose3A_27 = tpu.transpose %squeeze3A_26, [1, 0] : vector<128x128xf32> -> vector<128x128xf32>
    %swap3A_28 = arith.constant 3 : index
    %swap3A_29 = arith.constant 0 : index
    %swap3A_30 = arith.constant 0 : index
    %swap3A_31 = vector.load %arg2[%swap3A_28, %swap3A_29, %swap3A_30] : memref<10x128x128xf32, #tpu.memory_space<vmem>>, vector<1x128x128xf32>
    %swap3A_32 = vector.shape_cast %swap3A_31 : vector<1x128x128xf32> to vector<128x128xf32>
    %swap3A_33 = vector.shape_cast %transpose3A_27 : vector<128x128xf32> to vector<1x128x128xf32>
    tpu.vector_store %arg2[%swap3A_28, %swap3A_29, %swap3A_30], %swap3A_33 {strides = array<i32>} : memref<10x128x128xf32, #tpu.memory_space<vmem>>, vector<1x128x128xf32>,
    %slice3A_34 = vector.extract_strided_slice %reshape3A {offsets = [0, 4, 0], sizes = [128, 1, 128], strides = [1, 1, 1]} : vector<128x10x128xf32> to vector<128x1x128xf32>
    %squeeze3A_35 = vector.shape_cast %slice3A_34 : vector<128x1x128xf32> to vector<128x128xf32>
    %transpose3A_36 = tpu.transpose %squeeze3A_35, [1, 0] : vector<128x128xf32> -> vector<128x128xf32>
    %swap3A_37 = arith.constant 4 : index
    %swap3A_38 = arith.constant 0 : index
    %swap3A_39 = arith.constant 0 : index
    %swap3A_40 = vector.load %arg2[%swap3A_37, %swap3A_38, %swap3A_39] : memref<10x128x128xf32, #tpu.memory_space<vmem>>, vector<1x128x128xf32>
    %swap3A_41 = vector.shape_cast %swap3A_40 : vector<1x128x128xf32> to vector<128x128xf32>
    %swap3A_42 = vector.shape_cast %transpose3A_36 : vector<128x128xf32> to vector<1x128x128xf32>
    tpu.vector_store %arg2[%swap3A_37, %swap3A_38, %swap3A_39], %swap3A_42 {strides = array<i32>} : memref<10x128x128xf32, #tpu.memory_space<vmem>>, vector<1x128x128xf32>,
    %slice3A_43 = vector.extract_strided_slice %reshape3A {offsets = [0, 5, 0], sizes = [128, 1, 128], strides = [1, 1, 1]} : vector<128x10x128xf32> to vector<128x1x128xf32>
    %squeeze3A_44 = vector.shape_cast %slice3A_43 : vector<128x1x128xf32> to vector<128x128xf32>
    %transpose3A_45 = tpu.transpose %squeeze3A_44, [1, 0] : vector<128x128xf32> -> vector<128x128xf32>
    %swap3A_46 = arith.constant 5 : index
    %swap3A_47 = arith.constant 0 : index
    %swap3A_48 = arith.constant 0 : index
    %swap3A_49 = vector.load %arg2[%swap3A_46, %swap3A_47, %swap3A_48] : memref<10x128x128xf32, #tpu.memory_space<vmem>>, vector<1x128x128xf32>
    %swap3A_50 = vector.shape_cast %swap3A_49 : vector<1x128x128xf32> to vector<128x128xf32>
    %swap3A_51 = vector.shape_cast %transpose3A_45 : vector<128x128xf32> to vector<1x128x128xf32>
    tpu.vector_store %arg2[%swap3A_46, %swap3A_47, %swap3A_48], %swap3A_51 {strides = array<i32>} : memref<10x128x128xf32, #tpu.memory_space<vmem>>, vector<1x128x128xf32>,
    %slice3A_52 = vector.extract_strided_slice %reshape3A {offsets = [0, 6, 0], sizes = [128, 1, 128], strides = [1, 1, 1]} : vector<128x10x128xf32> to vector<128x1x128xf32>
    %squeeze3A_53 = vector.shape_cast %slice3A_52 : vector<128x1x128xf32> to vector<128x128xf32>
    %transpose3A_54 = tpu.transpose %squeeze3A_53, [1, 0] : vector<128x128xf32> -> vector<128x128xf32>
    %swap3A_55 = arith.constant 6 : index
    %swap3A_56 = arith.constant 0 : index
    %swap3A_57 = arith.constant 0 : index
    %swap3A_58 = vector.load %arg2[%swap3A_55, %swap3A_56, %swap3A_57] : memref<10x128x128xf32, #tpu.memory_space<vmem>>, vector<1x128x128xf32>
    %swap3A_59 = vector.shape_cast %swap3A_58 : vector<1x128x128xf32> to vector<128x128xf32>
    %swap3A_60 = vector.shape_cast %transpose3A_54 : vector<128x128xf32> to vector<1x128x128xf32>
    tpu.vector_store %arg2[%swap3A_55, %swap3A_56, %swap3A_57], %swap3A_60 {strides = array<i32>} : memref<10x128x128xf32, #tpu.memory_space<vmem>>, vector<1x128x128xf32>,
    %slice3A_61 = vector.extract_strided_slice %reshape3A {offsets = [0, 7, 0], sizes = [128, 1, 128], strides = [1, 1, 1]} : vector<128x10x128xf32> to vector<128x1x128xf32>
    %squeeze3A_62 = vector.shape_cast %slice3A_61 : vector<128x1x128xf32> to vector<128x128xf32>
    %transpose3A_63 = tpu.transpose %squeeze3A_62, [1, 0] : vector<128x128xf32> -> vector<128x128xf32>
    %swap3A_64 = arith.constant 7 : index
    %swap3A_65 = arith.constant 0 : index
    %swap3A_66 = arith.constant 0 : index
    %swap3A_67 = vector.load %arg2[%swap3A_64, %swap3A_65, %swap3A_66] : memref<10x128x128xf32, #tpu.memory_space<vmem>>, vector<1x128x128xf32>
    %swap3A_68 = vector.shape_cast %swap3A_67 : vector<1x128x128xf32> to vector<128x128xf32>
    %swap3A_69 = vector.shape_cast %transpose3A_63 : vector<128x128xf32> to vector<1x128x128xf32>
    tpu.vector_store %arg2[%swap3A_64, %swap3A_65, %swap3A_66], %swap3A_69 {strides = array<i32>} : memref<10x128x128xf32, #tpu.memory_space<vmem>>, vector<1x128x128xf32>,
    %slice3A_70 = vector.extract_strided_slice %reshape3A {offsets = [0, 8, 0], sizes = [128, 1, 128], strides = [1, 1, 1]} : vector<128x10x128xf32> to vector<128x1x128xf32>
    %squeeze3A_71 = vector.shape_cast %slice3A_70 : vector<128x1x128xf32> to vector<128x128xf32>
    %transpose3A_72 = tpu.transpose %squeeze3A_71, [1, 0] : vector<128x128xf32> -> vector<128x128xf32>
    %swap3A_73 = arith.constant 8 : index
    %swap3A_74 = arith.constant 0 : index
    %swap3A_75 = arith.constant 0 : index
    %swap3A_76 = vector.load %arg2[%swap3A_73, %swap3A_74, %swap3A_75] : memref<10x128x128xf32, #tpu.memory_space<vmem>>, vector<1x128x128xf32>
    %swap3A_77 = vector.shape_cast %swap3A_76 : vector<1x128x128xf32> to vector<128x128xf32>
    %swap3A_78 = vector.shape_cast %transpose3A_72 : vector<128x128xf32> to vector<1x128x128xf32>
    tpu.vector_store %arg2[%swap3A_73, %swap3A_74, %swap3A_75], %swap3A_78 {strides = array<i32>} : memref<10x128x128xf32, #tpu.memory_space<vmem>>, vector<1x128x128xf32>,
    %slice3A_79 = vector.extract_strided_slice %reshape3A {offsets = [0, 9, 0], sizes = [128, 1, 128], strides = [1, 1, 1]} : vector<128x10x128xf32> to vector<128x1x128xf32>
    %squeeze3A_80 = vector.shape_cast %slice3A_79 : vector<128x1x128xf32> to vector<128x128xf32>
    %transpose3A_81 = tpu.transpose %squeeze3A_80, [1, 0] : vector<128x128xf32> -> vector<128x128xf32>
    %swap3A_82 = arith.constant 9 : index
    %swap3A_83 = arith.constant 0 : index
    %swap3A_84 = arith.constant 0 : index
    %swap3A_85 = vector.load %arg2[%swap3A_82, %swap3A_83, %swap3A_84] : memref<10x128x128xf32, #tpu.memory_space<vmem>>, vector<1x128x128xf32>
    %swap3A_86 = vector.shape_cast %swap3A_85 : vector<1x128x128xf32> to vector<128x128xf32>
    %swap3A_87 = vector.shape_cast %transpose3A_81 : vector<128x128xf32> to vector<1x128x128xf32>
    tpu.vector_store %arg2[%swap3A_82, %swap3A_83, %swap3A_84], %swap3A_87 {strides = array<i32>} : memref<10x128x128xf32, #tpu.memory_space<vmem>>, vector<1x128x128xf32>,
    return
  }
  func.func @transform_0(%arg0: i32) -> (i32, i32) {
    %c0_i32 = arith.constant 0 : i32
    %c0_i32_0 = arith.constant 0 : i32
    return %arg0, %c0_i32 : i32, i32
  }
  func.func @transform_1(%arg0: i32) -> (i32, i32, i32) {
    %c0_i32 = arith.constant 0 : i32
    %c0_i32_0 = arith.constant 0 : i32
    %c0_i32_1 = arith.constant 0 : i32
    return %c0_i32, %c0_i32_0, %arg0 : i32, i32, i32
  }
}

</mosaic_0001>

<sc_bundles>
// kernel: kernel.10.cloned.1.call-start
scs
__scs_entry_jumppad:
0x0: {  	(pc) =	sbr.rel $0x88, $3  }
0x1: {  	(tag) =	ssettag $0x0;
	lr =	simm.s32 $0x1  }
0x2: {  	[smem:$0x3F9D] =	sst lr;
	_ =	strace $0xD0000000  }
0x3: {  	_ = 	snop  }
0x4: {  	_ = 	snop  }
0x5: {  	_ = 	snop  }
0x6: {  	_ = 	snop  }
0x7: {  	_ = 	snop  }
__scs_overlays_trampoline_lowered:
0x8: {  	[smem:$0x3FAC] =	sst s0  }
0x9: {  	[smem:$0x3FAD] =	sst s1  }
0xa: {  	[smem:$0x3FAE] =	sst s2  }
0xb: {  	[smem:$0x3FAF] =	sst s3  }
0xc: {  	[smem:$0x3FB0] =	sst s4  }
0xd: {  	[smem:$0x3FB1] =	sst s5  }
0xe: {  	[smem:$0x3FB2] =	sst s6  }
0xf: {  	[smem:$0x3FB3] =	sst s7  }
0x10: {  	[smem:$0x3FB4] =	sst s8  }
0x11: {  	[smem:$0x3FB5] =	sst s9;
	s0 =	simm.s32 @!p0 $0x0  }
0x12: {  	s1 =	sld [smem:$0x3F9B];
	s0 =	simm.s32 @p0 $0x1  }
0x13: {  	[smem:$0x3FB6] =	sst s0;
	s0 =	simm.s32 @!p1 $0x0  }
0x14: {  	s2 =	sld [smem:$0x3F9A];
	s0 =	simm.s32 @p1 $0x1  }
0x15: {  	[smem:$0x3FB7] =	sst s0;
	s0 =	simm.s32 @!p2 $0x0  }
0x16: {  	s3 =	sld [smem:$0x3FDB];
	s0 =	simm.s32 @p2 $0x1  }
0x17: {  	s4 =	simm.s32 $0x1BF5;
	[smem:$0x3FB9] =	sst s0  }
0x18: {  	s0 =	sld [smem:$0x3F9C];
	_ =	swait.ge [sflag:s4], $0x0  }
0x19: {  	s7 =	sld [smem:$0x3F9D]  }
0x1a: {  	s8 =	sadd.s32 $0xFFFFE003, lr  }
0x1b: {  	s9 =	sadd.s32 $0xFFFFFEF7, lr;
	s5 =	simm.s32 $0xFFFFFFFF;
	p2 =	slt.u32 s8, $0xFFFFF086  }
0x1c: {  	p1 =	slt.u32 s9, $0xF7A;
	s5 =	simm.s32 @!p2 $0x0  }
0x1d: {  	s5 =	simm.s32 @p1 $0x1;
	p0 =	seq.s32 s7, s2  }
0x1e: {  	s7 =	smul.u32 @!p0 $0xF7A, s2;
	p2 =	seq.s32 @!p0 s5, $0x0  }
0x1f: {  	s9 =	smul.u32 $0xF7A, s1;
	s8 =	simm.s32 @!p0 $0x1BF5;
	p2 =	por !p2, p0  }
0x20: {  	[sflag:s8] =	ssyncset.s32 @!p0 $0xFFFFF086;
	s6 =	sadd.s32 @!p0 s3, s7;
	s7 =	simm.s32 @!p0 $0x108  }
0x21: {  	s3 =	sadd.s32 s3, s9;
	s6 =	sadd.s32 @!p0 $0x88, s6;
	s7 =	simm.s32 @p2 $0x1082  }
0x22: {  	[simem:s7], [sflag:s8] =	dma.local @!p0 [hbm:s6], $0xF7A  }
0x23: {  	s9 =	sor.u32 $0xD0000000, s2;
	s6 =	simm.s32 $0x108;
	_ =	swait.ge @!p0 [sflag:s8], $0x0  }
0x24: {  	s3 =	sadd.s32 $0x88, s3;
	s6 =	simm.s32 @!p1 $0x1082;
	[sflag:s4] =	ssyncset.s32 $0xFFFFF086  }
0x25: {  	[simem:s6], [sflag:s4] =	dma.local [hbm:s3], $0xF7A  }
0x26: {  	[smem:$0x3F9D] =	sst s1;
	(tag) =	ssettag s2;
	_ =	strace s9  }
0x27: {  	s1 =	sld [smem:$0x3FAD]  }
0x28: {  	s2 =	sld [smem:$0x3FAE]  }
0x29: {  	s4 =	sld [smem:$0x3FB0]  }
0x2a: {  	p0 =	seq.s32 s5, $0x0;
	s5 =	sld [smem:$0x3FB1]  }
0x2b: {  	s6 =	sld [smem:$0x3FB2]  }
0x2c: {  	s7 =	sld [smem:$0x3FB3]  }
0x2d: {  	s3 =	simm.s32 $0x108;
	s8 =	sld [smem:$0x3FB4]  }
0x2e: {  	s3 =	simm.s32 @!p0 $0x1082;
	s9 =	sld [smem:$0x3FB5]  }
0x2f: {  	lr =	sadd.s32 s0, s3;
	s0 =	sld [smem:$0x3FAC]  }
0x30: {  	s3 =	sld [smem:$0x3FAF]  }
0x31: {  	[smem:$0x3FB8] =	sst s10  }
0x32: {  	s10 =	sld [smem:$0x3FB6];
	_ =	sdelay $0x3  }
0x33: {  	p0 =	seq.s32 s10, $0x1;
	s10 =	sld [smem:$0x3FB8];
	_ =	sdelay $0x3  }
0x34: {  	[smem:$0x3FB8] =	sst s10  }
0x35: {  	s10 =	sld [smem:$0x3FB7];
	_ =	sdelay $0x3  }
0x36: {  	p1 =	seq.s32 s10, $0x1;
	s10 =	sld [smem:$0x3FB8];
	_ =	sdelay $0x3  }
0x37: {  	[smem:$0x3FB8] =	sst s10  }
0x38: {  	s10 =	sld [smem:$0x3FB9]  }
0x39: {  	_ = 	snop;
	(pc) =	sbr.ind lr, $3  }
0x3a: {  	_ = 	snop  }
0x3b: {  	_ = 	snop  }
0x3c: {  	p2 =	seq.s32 s10, $0x1;
	s10 =	sld [smem:$0x3FB8]  }
0x3d: {  	_ =	shalt  }
0x3e: {  	_ =	shalt  }
0x3f: {  	_ =	shalt  }
0x40: {  	_ =	shalt  }
0x41: {  	_ =	shalt  }
0x42: {  	_ =	shalt  }
0x43: {  	_ =	shalt  }
0x44: {  	_ =	shalt  }
0x45: {  	_ =	shalt  }
0x46: {  	_ =	shalt  }
0x47: {  	_ =	shalt  }
0x48: {  	_ =	shalt  }
0x49: {  	_ =	shalt  }
0x4a: {  	_ =	shalt  }
0x4b: {  	_ =	shalt  }
0x4c: {  	_ =	shalt  }
0x4d: {  	_ =	shalt  }
0x4e: {  	_ =	shalt  }
0x4f: {  	_ =	shalt  }
0x50: {  	_ =	shalt  }
0x51: {  	_ =	shalt  }
0x52: {  	_ =	shalt  }
0x53: {  	_ =	shalt  }
0x54: {  	_ =	shalt  }
0x55: {  	_ =	shalt  }
0x56: {  	_ =	shalt  }
0x57: {  	_ =	shalt  }
0x58: {  	_ =	shalt  }
0x59: {  	_ =	shalt  }
0x5a: {  	_ =	shalt  }
0x5b: {  	_ =	shalt  }
0x5c: {  	_ =	shalt  }
0x5d: {  	_ =	shalt  }
0x5e: {  	_ =	shalt  }
0x5f: {  	_ =	shalt  }
0x60: {  	_ =	shalt  }
0x61: {  	_ =	shalt  }
0x62: {  	_ =	shalt  }
0x63: {  	_ =	shalt  }
0x64: {  	_ =	shalt  }
0x65: {  	_ =	shalt  }
0x66: {  	_ =	shalt  }
0x67: {  	_ =	shalt  }
0x68: {  	_ =	shalt  }
0x69: {  	_ =	shalt  }
0x6a: {  	_ =	shalt  }
0x6b: {  	_ =	shalt  }
0x6c: {  	_ =	shalt  }
0x6d: {  	_ =	shalt  }
0x6e: {  	_ =	shalt  }
0x6f: {  	_ =	shalt  }
0x70: {  	_ =	shalt  }
0x71: {  	_ =	shalt  }
0x72: {  	_ =	shalt  }
0x73: {  	_ =	shalt  }
0x74: {  	_ =	shalt  }
0x75: {  	_ =	shalt  }
0x76: {  	_ =	shalt  }
0x77: {  	_ =	shalt  }
0x78: {  	_ =	shalt  }
0x79: {  	_ =	shalt  }
0x7a: {  	_ =	shalt  }
0x7b: {  	_ =	shalt  }
0x7c: {  	_ =	shalt  }
0x7d: {  	_ =	shalt  }
0x7e: {  	_ =	shalt  }
0x7f: {  	_ =	shalt  }
0x80: {  	_ =	shalt  }
0x81: {  	_ =	shalt  }
0x82: {  	_ =	shalt  }
0x83: {  	_ =	shalt  }
0x84: {  	_ =	shalt  }
0x85: {  	_ =	shalt  }
0x86: {  	_ =	shalt  }
0x87: {  	_ =	shalt  }
.Lfunc_end0:
.L_simem_size_0:
called_computation.1_lowered:
.L_overlay_start_0:
0x88: {  	s2 =	sld [smem:$0x3FD9]  }
0x89: {  	s3 =	sld [smem:$0x3FFE];
	_ =	sdelay $0x1  }
0x8a: {  	s1 =	srdreg.scid  }
0x8b: {  	s0 =	sand.u32 $0x1, s1  }
0x8c: {  	s14 =	sshll.u32 s0, $0xA;
	s2 =	sadd.s32 s3, s2  }
0x8d: {  	s2 =	sadd.s32 s2, s14  }
0x8e: {  	[smem:$0x3FC4] =	sst s2  }
0x8f: {  	_ = 	snop  }
0x90: {  	s2 =	sld [smem:$0x3FD0];
	_ =	sdelay $0x2  }
0x91: {  	s15 =	simm.s32 $0xA;
	s4 =	simm.s32 $0x10  }
0x92: {  	[smem:s4], [sflag:s15] =	dma.local [hbm:s2], $0x1  }
0x93: {  	_ =	swait.eq [sflag:s15], $0x1  }
0x94: {  	[sflag:s15] =	ssyncset.done $0x0  }
0x95: {  	s16 =	sld [smem:$0x10];
	[sflag:s15] =	ssyncadd.s32 $0xFFFFFFFF  }
0x96: {  	s17 =	sld [smem:$0x12];
	(tm) =	ssettm $0x1  }
0x97: {  	s18 =	sld [smem:$0x3FFB];
	_ =	sdelay $0x3  }
0x98: {  	_ =	strace s18  }
0x99: {  	s4 =	sld [smem:$0x3FFC];
	_ =	sdelay $0x3  }
0x9a: {  	_ =	strace s4  }
0x9b: {  	s4 =	sld [smem:$0x3FFD];
	_ =	sdelay $0x3  }
0x9c: {  	_ =	strace s4  }
0x9d: {  	_ =	strace $0x8FFFFFFF  }
0x9e: {  	s19 =	sld [smem:$0x3FDB];
	_ =	sdelay $0x1  }
0x9f: {  	s5 =	simm.s32 $_scs_section_size  }
0xa0: {  	s6 =	simm.s32 $_size__tile_overlayer_lowered;
	s7 =	simm.s32 $_tile_overlayer_lowered  }
0xa1: {  	s22 =	simm.s32 $0x1BFF;
	s21 =	sshll.u32 s7, $0x1;
	s4 =	sadd.s32 s5, s19  }
0xa2: {  	s8 =	simm.s32 $0x0;
	s20 =	sshll.u32 s6, $0x1;
	s6 =	sadd.s32 s21, s4  }
0xa3: {  	[timem:s8], [sflag:s22] =	dma.local [hbm:s6], s20  }
0xa4: {  	_ =	swait.ge [sflag:s22], s20  }
0xa5: {  	s5 =	ssub.s32 $0x0, s20;
	[sflag:s22] =	ssyncset.done $0x0  }
0xa6: {  	[sflag:s22] =	ssyncadd.s32 s5;
	_ =	sdelay $0x1  }
0xa7: {  	s23 =	simm.s32 $0x1B8B  }
0xa8: {  	_ =	swait.ge [sflag:s23], $0x1  }
0xa9: {  	[sflag:s23] =	ssyncset.done $0x0  }
0xaa: {  	s25 =	simm.s32 $0x1B8E;
	s24 =	sld [smem:$0x3FFE];
	[sflag:s23] =	ssyncadd.s32 $0xFFFFFFFF  }
0xab: {  	s26 =	simm.s32 $execute0_lowered;
	[smem:$0x3FD2] =	sst s25  }
0xac: {  	s6 =	sshll.u32 s26, $0x1;
	_ =	strace $0x80000049;
	[dreg:$0x1] =	wrdreg $0xFFFFFFFF  }
0xad: {  	s28 =	simm.s32 $_size_execute0_lowered;
	s4 =	sadd.s32 s4, s6;
	[dreg:$0x0] =	wrdreg $0x0  }
0xae: {  	s6 =	sshll.u32 s28, $0x1;
	[dreg:$0x2] =	wrdreg s4  }
0xaf: {  	[dreg:$0x3] =	wrdreg s6  }
0xb0: {  	[dreg:$0x4] =	wrdreg $0xC0  }
0xb1: {  	_ =	task [dreg:s8], $0x5FFFF  }
0xb2: {  	[dreg:$0x1] =	wrdreg $0xFFFFFFFF  }
0xb3: {  	[dreg:$0x0] =	wrdreg $0x60  }
0xb4: {  	[dreg:$0x2] =	wrdreg s24  }
0xb5: {  	[dreg:$0x3] =	wrdreg s16  }
0xb6: {  	[dreg:$0x4] =	wrdreg s17  }
0xb7: {  	[dreg:$0x5] =	wrdreg $0x9  }
0xb8: {  	_ =	task.clear_ibuf [dreg:s8], $0x6FFFF;
	_ =	strace $0x90000049  }
0xb9: {  	s29 =	simm.s32 $0x9;
	_ =	strace $0x8000004B  }
0xba: {  	_ =	swait.ge [sflag:s29], $0x1  }
0xbb: {  	[sflag:s29] =	ssyncadd.s32 $0xFFFFFFFF  }
0xbc: {  	_ =	strace $0x9000004B  }
0xbd: {  	_ =	sfence  }
0xbe: {  	s30 =	sld [smem:$0x0];
	_ =	sdelay $0x2  }
0xbf: {  	s31 =	sshll.u32 s1, $0xD;
	s1 =	sshrl.u32 s1, $0x2  }
0xc0: {  	s3 =	sand.u32 $0x4000, s31;
	s1 =	sadd.s32 s1, s30  }
0xc1: {  	s0 =	sor.u32 s3, s0;
	s1 =	sshll.u32 s1, $0x11  }
0xc2: {  	s0 =	sor.u32 s1, s0  }
0xc3: {  	s0 =	sadd.s32 $0x8F2B, s0  }
0xc4: {  	[sflag:s0] =	ssyncadd.remote.s32 $0x1  }
0xc5: {  	_ =	sfence.sel $0xFFFF  }
0xc6: {  	[dreg:$0x0] =	wrdreg $0xFFFFFFFF;
	(pc) =	sbr.abs _section_cstart, $3  }
0xc7: {  	[dreg:$0x1] =	wrdreg $0xFFFFFFFF  }
0xc8: {  	_ =	task.clear_ibuf [dreg:s8], $0x2FFFF;
	_ =	strace $0x9FFFFFFF  }
0xc9: {  	(tm) =	ssettm $0x7FFFFFFF  }
tec
execute0_lowered:
.L_overlay_start_1:
0x0: {  	(tag) =	ssettag $0x1  }
0x1: {  	s0 =	rddreg [dreg:$0x0]  }
0x2: {  	s1 =	srdreg.scid;
	s4 =	rddreg [dreg:$0x1]  }
0x3: {  	s11 =	stileid.u32;
	s5 =	rddreg [dreg:$0x2]  }
0x4: {  	s12 =	simm.s32 $0x50;
	s15 =	simm.s32 $0xA0;
	s16 =	simm.s32 $0xA500  }
0x5: {  	s17 =	simm.s32 $0xF0;
	s18 =	simm.s32 $0xB900;
	s19 =	simm.s32 $0xD  }
0x6: {  	s20 =	simm.s32 $0xE;
	s21 =	simm.s32 $0xF;
	s22 =	simm.s32 $0x10  }
0x7: {  	s23 =	simm.s32 $0x9;
	s24 =	simm.s32 $0xA;
	s8 =	smul.u32 $0x7D000, s11  }
0x8: {  	s1 =	sand.u32 $0x1, s1;
	s2 =	sshll.u32 s11, $0x1;
	s11 =	smul.u32 $0x6400, s11  }
0x9: {  	s25 =	simm.s32 $0xB;
	s26 =	simm.s32 $0xC;
	s29 =	smul.u32 $0x3200, s1  }
0xa: {  	s3 =	sor.u32 s1, s2;
	s9 =	ssub.s32 $0x2, s1;
	s1 =	smul.u32 $0x3E800, s1  }
0xb: {  	s28 =	simm.s32 $0x0;
	s2 =	simm.s32 $0x0;
	s6 =	smul.u32 $0xC8, s3  }
0xc: {  	[smem:$0x7FF] =	sst s2;
	s7 =	smul.u32 $0xFA0, s3;
	s3 =	sadd.s32 $0x1000, s0  }
0xd: {  	s10 =	sshrl.u32 s9, $0x1;
	s4 =	sadd.s32 s11, s4;
	s5 =	sadd.s32 s8, s5  }
0xe: {  	s11 =	simm.s32 $0x11;
	_ =	strace $0x8000004A;
	s9 =	ssub.s32 s9, s10  }
0xf: {  	s6 =	sadd.s32 s6, s0;
	s7 =	sadd.s32 s7, s0;
	s31 =	smax.u32 s9, $0x1  }
0x10: {  	s0 =	sadd.s32 s8, s0;
	s6 =	sadd.s32 $0xC4600, s6;
	[dreg:$0x7] =	wrdreg s31  }
0x11: {  	s8 =	sadd.s32 s29, s4;
	s30 =	sadd.s32 $0xC6000, s7;
	[dreg:$0x4] =	wrdreg s6  }
0x12: {  	s7 =	sadd.s32 $0xE5400, s7;
	s0 =	sadd.s32 s1, s0;
	[dreg:$0x5] =	wrdreg s30  }
0x13: {  	s9 =	sadd.s32 s1, s5;
	[dreg:$0x6] =	wrdreg s7;
	s10 =	sadd.s32 $0x104800, s0  }
.LBB2_1:
0x14: {  	s0 =	rddreg [dreg:$0x4];
	s6 =	simm.s32 $0x7D00  }
0x15: {  	[tilespmem:s2], [sflag:$0x11] =	stream.linear.gather [hbm4b:s0+s2], $0x640, $0x38;
	[tilespmem:$0x11D00] =	vst v63  }
0x16: {  	s7 =	simm.s32 $0x9100;
	s29 =	simm.s32 $0x140;
	_ =	swait.ge [sflag:s11], $0x640  }
0x17: {  	s30 =	simm.s32 $0x1;
	p0 =	por $0x0, $0x0;
	[sflag:s11] =	ssyncset.done $0x0  }
0x18: {  	s13 =	sand.u32 $0x7, s2;
	p2 =	por @!p0 $0x1, $0x1;
	[sflag:s11] =	ssyncadd.s32 $0xFFFFF9C0  }
0x19: {  	[tilespmem:s6], [sflag:$0x1] =	stream.indirect.gather [hbm4b:s3+s12], $0x40, s2, s12, $0xb8;
	[tilespmem:$0x11D00] =	vst v63  }
0x1a: {  	s1 =	simm.s32 $0x4;
	s31 =	sadd.s32 $0x280, s8;
	p1 =	por p2, p0  }
0x1b: {  	[tilespmem:s7], [sflag:$0x2] =	stream.indirect.gather [hbm4b:s3+s12], $0x40, s12, s12, $0xb8;
	[tilespmem:$0x11D00] =	vst v63  }
0x1c: {  	s5 =	smul.u32 $0x5000, s13;
	p2 =	por !p2, p0;
	s6 =	sand.u32 @!p1 $0x7, s1  }
0x1d: {  	[tilespmem:s16], [sflag:$0x3] =	stream.indirect.gather [hbm4b:s3+s12], $0x40, s15, s12, $0xb8;
	[tilespmem:$0x11D00] =	vst v63  }
0x1e: {  	s4 =	sadd.s32 $0x1, s13;
	s5 =	sshrl.u32 s5, $0x2;
	s1 =	smov.u32 @p2 s6  }
0x1f: {  	[tilespmem:s18], [sflag:$0x4] =	stream.indirect.gather [hbm4b:s3+s12], $0x40, s17, s12, $0xb8;
	[tilespmem:$0x11D00] =	vst v63  }
0x20: {  	s0 =	sadd.s32 @!p1 $0x9, s6;
	s6 =	smul.u32 @!p0 $0x5000, s1;
	_ =	swait.ge [sflag:s4], $0x1400  }
0x21: {  	s14 =	sadd.s32 $0x9, s13;
	s5 =	sadd.s32 $0x7D00, s5;
	[sflag:s4] =	ssyncset.done $0x0  }
0x22: {  	s6 =	sshra.s32 @!p0 s6, $0x2;
	[sflag:s4] =	ssyncadd.s32 $0xFFFFEC00;
	s4 =	simm.s32 @!p0 $0x50  }
0x23: {  	[hbm4b:s8+s2] =	stream.linear.scatter [tilespmem:s5], [sflag:s14], $0x1400, $0x38;
	[tilespmem:$0x11D00] =	vst v63  }
0x24: {  	s5 =	sadd.s32 @!p0 $0x1, s1;
	s1 =	simm.s32 $0x190;
	_ =	swait.ge @!p1 [sflag:s0], $0x1400  }
.LBB2_2:
0x25: {  	[sflag:s0] =	ssyncset.done @!p1 $0x0;
	s6 =	sadd.s32 @!p0 $0x7D00, s6  }
0x26: {  	s7 =	smov.u32 s30;
	s30 =	sadd.s32 $0x1, s30;
	s13 =	smov.u32 s31  }
0x27: {  	p2 =	sne.s32 s30, $0x14;
	[sflag:s0] =	ssyncadd.s32 @!p1 $0xFFFFEC00  }
0x28: {  	[tilespmem:s6], [sflag:s5] =	stream.indirect.gather @!p0 [hbm4b:s3+s4], $0x40, s29, s4, $0xb8;
	[tilespmem:$0x11D00] =	vst v63  }
0x29: {  	s0 =	sand.u32 $0x7, s7;
	s29 =	smov.u32 s1  }
0x2a: {  	s5 =	sadd.s32 $0x4, s7;
	p0 =	sgt.u32 s7, $0xF;
	s4 =	sadd.s32 $0x1, s0  }
0x2b: {  	s6 =	smul.u32 $0x5000, s0;
	s14 =	sadd.s32 $0x9, s0;
	p3 =	slt.u32 @!p0 s7, $0x4  }
0x2c: {  	p1 =	por p3, p0;
	p3 =	por !p3, p0;
	_ =	swait.ge [sflag:s4], $0x1400  }
0x2d: {  	s6 =	sshrl.u32 s6, $0x2;
	s7 =	sand.u32 @!p1 $0x7, s5;
	[sflag:s4] =	ssyncset.done $0x0  }
.Ltmp0:
0x2e: {  	s6 =	sadd.s32 $0x7D00, s6;
	[sflag:s4] =	ssyncadd.s32 $0xFFFFEC00;
	(pc) =	sbr.rel @p2 .LBB2_2-.Ltmp0, $4  }
0x2f: {  	s0 =	sadd.s32 @!p1 $0x9, s7;
	s5 =	smov.u32 @p3 s7;
	s4 =	simm.s32 @!p0 $0x50  }
0x30: {  	s31 =	sadd.s32 $0x280, s31;
	s7 =	smul.u32 @!p0 $0x5000, s5;
	s5 =	sadd.s32 @!p0 $0x1, s5  }
0x31: {  	[hbm4b:s13+s2] =	stream.linear.scatter [tilespmem:s6], [sflag:s14], $0x1400, $0x38;
	[tilespmem:$0x11D00] =	vst v63  }
0x32: {  	s1 =	sadd.s32 $0x50, s1;
	s6 =	sshra.s32 @!p0 s7, $0x2;
	_ =	swait.ge @!p1 [sflag:s0], $0x1400  }
0x33: {  	[sflag:s0] =	ssyncset.done @!p1 $0x0  }
0x34: {  	s1 =	sadd.s32 @!p0 $0x7D00, s6;
	[sflag:s0] =	ssyncadd.s32 @!p1 $0xFFFFEC00  }
0x35: {  	[tilespmem:s1], [sflag:s5] =	stream.indirect.gather @!p0 [hbm4b:s3+s4], $0x40, s29, s4, $0xb8;
	[tilespmem:$0x11D00] =	vst v63  }
0x36: {  	_ =	swait.ge [sflag:s19], $0x1400  }
0x37: {  	[sflag:s19] =	ssyncset.done $0x0  }
0x38: {  	[sflag:s19] =	ssyncadd.s32 $0xFFFFEC00  }
0x39: {  	_ =	swait.ge [sflag:s20], $0x1400  }
0x3a: {  	[sflag:s20] =	ssyncset.done $0x0  }
0x3b: {  	[sflag:s20] =	ssyncadd.s32 $0xFFFFEC00  }
0x3c: {  	_ =	swait.ge [sflag:s21], $0x1400  }
0x3d: {  	[sflag:s21] =	ssyncset.done $0x0  }
0x3e: {  	[sflag:s21] =	ssyncadd.s32 $0xFFFFEC00  }
0x3f: {  	_ =	swait.ge [sflag:s22], $0x1400  }
0x40: {  	[sflag:s22] =	ssyncset.done $0x0  }
0x41: {  	[sflag:s22] =	ssyncadd.s32 $0xFFFFEC00  }
0x42: {  	_ =	swait.ge [sflag:s23], $0x1400  }
0x43: {  	[sflag:s23] =	ssyncset.done $0x0  }
0x44: {  	[sflag:s23] =	ssyncadd.s32 $0xFFFFEC00  }
0x45: {  	_ =	swait.ge [sflag:s24], $0x1400  }
0x46: {  	[sflag:s24] =	ssyncset.done $0x0  }
0x47: {  	[sflag:s24] =	ssyncadd.s32 $0xFFFFEC00  }
0x48: {  	_ =	swait.ge [sflag:s25], $0x1400  }
0x49: {  	[sflag:s25] =	ssyncset.done $0x0  }
0x4a: {  	[sflag:s25] =	ssyncadd.s32 $0xFFFFEC00  }
0x4b: {  	_ =	swait.ge [sflag:s26], $0x1400  }
0x4c: {  	s14 =	simm.s32 $0x0;
	[sflag:s26] =	ssyncset.done $0x0  }
0x4d: {  	s6 =	simm.s32 $0x9100;
	s4 =	rddreg [dreg:$0x5];
	[sflag:s26] =	ssyncadd.s32 $0xFFFFEC00  }
0x4e: {  	[tilespmem:s14], [sflag:$0x11] =	stream.linear.gather [hbm4b:s4+s14], $0x7D00, $0x38;
	[tilespmem:$0x11D00] =	vst v63  }
0x4f: {  	s30 =	simm.s32 $0x1;
	s31 =	sadd.s32 $0x280, s9;
	_ =	swait.ge [sflag:s11], $0x7D00  }
0x50: {  	s0 =	sand.u32 $0x7, s14;
	p0 =	por $0x0, $0x0;
	[sflag:s11] =	ssyncset.done $0x0  }
0x51: {  	s5 =	simm.s32 $0x7D00;
	p2 =	por @!p0 $0x1, $0x1;
	[sflag:s11] =	ssyncadd.s32 $0xFFFF8300  }
0x52: {  	[tilespmem:s5], [sflag:$0x1] =	stream.indirect.gather [hbm4b:s3+s12], $0x40, s14, s12, $0xb8;
	[tilespmem:$0x11D00] =	vst v63  }
0x53: {  	s29 =	simm.s32 $0x140;
	s1 =	simm.s32 $0x4;
	p1 =	por p2, p0  }
0x54: {  	[tilespmem:s6], [sflag:$0x2] =	stream.indirect.gather [hbm4b:s3+s12], $0x40, s12, s12, $0xb8;
	[tilespmem:$0x11D00] =	vst v63  }
0x55: {  	s7 =	sadd.s32 $0x1, s0;
	p2 =	por !p2, p0;
	s6 =	sand.u32 @!p1 $0x7, s1  }
0x56: {  	[tilespmem:s16], [sflag:$0x3] =	stream.indirect.gather [hbm4b:s3+s12], $0x40, s15, s12, $0xb8;
	[tilespmem:$0x11D00] =	vst v63  }
0x57: {  	s13 =	smul.u32 $0x5000, s0;
	s14 =	sadd.s32 $0x9, s0;
	s1 =	smov.u32 @p2 s6  }
0x58: {  	[tilespmem:s18], [sflag:$0x4] =	stream.indirect.gather [hbm4b:s3+s12], $0x40, s17, s12, $0xb8;
	[tilespmem:$0x11D00] =	vst v63  }
0x59: {  	s0 =	sadd.s32 @!p1 $0x9, s6;
	s6 =	smul.u32 @!p0 $0x5000, s1;
	_ =	swait.ge [sflag:s7], $0x1400  }
0x5a: {  	s4 =	simm.s32 @!p0 $0x50;
	s5 =	sshrl.u32 s13, $0x2;
	[sflag:s7] =	ssyncset.done $0x0  }
0x5b: {  	s5 =	sadd.s32 $0x7D00, s5;
	s6 =	sshra.s32 @!p0 s6, $0x2;
	[sflag:s7] =	ssyncadd.s32 $0xFFFFEC00  }
0x5c: {  	[hbm4b:s9+s2] =	stream.linear.scatter [tilespmem:s5], [sflag:s14], $0x1400, $0x38;
	[tilespmem:$0x11D00] =	vst v63  }
0x5d: {  	s5 =	sadd.s32 @!p0 $0x1, s1;
	s1 =	simm.s32 $0x190;
	_ =	swait.ge @!p1 [sflag:s0], $0x1400  }
.LBB2_4:
0x5e: {  	[sflag:s0] =	ssyncset.done @!p1 $0x0;
	s6 =	sadd.s32 @!p0 $0x7D00, s6  }
0x5f: {  	s7 =	smov.u32 s30;
	s30 =	sadd.s32 $0x1, s30;
	s13 =	smov.u32 s31  }
0x60: {  	p2 =	sne.s32 s30, $0x190;
	[sflag:s0] =	ssyncadd.s32 @!p1 $0xFFFFEC00  }
0x61: {  	[tilespmem:s6], [sflag:s5] =	stream.indirect.gather @!p0 [hbm4b:s3+s4], $0x40, s29, s4, $0xb8;
	[tilespmem:$0x11D00] =	vst v63  }
0x62: {  	s0 =	sand.u32 $0x7, s7;
	s29 =	smov.u32 s1  }
0x63: {  	s5 =	sadd.s32 $0x4, s7;
	p0 =	sgt.u32 s7, $0x18B;
	s4 =	sadd.s32 $0x1, s0  }
0x64: {  	s6 =	smul.u32 $0x5000, s0;
	s14 =	sadd.s32 $0x9, s0;
	p3 =	slt.u32 @!p0 s7, $0x4  }
0x65: {  	p1 =	por p3, p0;
	p3 =	por !p3, p0;
	_ =	swait.ge [sflag:s4], $0x1400  }
0x66: {  	s6 =	sshrl.u32 s6, $0x2;
	s7 =	sand.u32 @!p1 $0x7, s5;
	[sflag:s4] =	ssyncset.done $0x0  }
.Ltmp1:
0x67: {  	s6 =	sadd.s32 $0x7D00, s6;
	[sflag:s4] =	ssyncadd.s32 $0xFFFFEC00;
	(pc) =	sbr.rel @p2 .LBB2_4-.Ltmp1, $4  }
0x68: {  	s0 =	sadd.s32 @!p1 $0x9, s7;
	s5 =	smov.u32 @p3 s7;
	s4 =	simm.s32 @!p0 $0x50  }
0x69: {  	s31 =	sadd.s32 $0x280, s31;
	s7 =	smul.u32 @!p0 $0x5000, s5;
	s5 =	sadd.s32 @!p0 $0x1, s5  }
0x6a: {  	[hbm4b:s13+s2] =	stream.linear.scatter [tilespmem:s6], [sflag:s14], $0x1400, $0x38;
	[tilespmem:$0x11D00] =	vst v63  }
0x6b: {  	s1 =	sadd.s32 $0x50, s1;
	s6 =	sshra.s32 @!p0 s7, $0x2;
	_ =	swait.ge @!p1 [sflag:s0], $0x1400  }
0x6c: {  	[sflag:s0] =	ssyncset.done @!p1 $0x0  }
0x6d: {  	s1 =	sadd.s32 @!p0 $0x7D00, s6;
	[sflag:s0] =	ssyncadd.s32 @!p1 $0xFFFFEC00  }
0x6e: {  	[tilespmem:s1], [sflag:s5] =	stream.indirect.gather @!p0 [hbm4b:s3+s4], $0x40, s29, s4, $0xb8;
	[tilespmem:$0x11D00] =	vst v63  }
0x6f: {  	_ =	swait.ge [sflag:s23], $0x1400  }
0x70: {  	[sflag:s23] =	ssyncset.done $0x0  }
0x71: {  	[sflag:s23] =	ssyncadd.s32 $0xFFFFEC00  }
0x72: {  	_ =	swait.ge [sflag:s24], $0x1400  }
0x73: {  	[sflag:s24] =	ssyncset.done $0x0  }
0x74: {  	[sflag:s24] =	ssyncadd.s32 $0xFFFFEC00  }
0x75: {  	_ =	swait.ge [sflag:s25], $0x1400  }
0x76: {  	[sflag:s25] =	ssyncset.done $0x0  }
0x77: {  	[sflag:s25] =	ssyncadd.s32 $0xFFFFEC00  }
0x78: {  	_ =	swait.ge [sflag:s26], $0x1400  }
0x79: {  	[sflag:s26] =	ssyncset.done $0x0  }
0x7a: {  	[sflag:s26] =	ssyncadd.s32 $0xFFFFEC00  }
0x7b: {  	_ =	swait.ge [sflag:s19], $0x1400  }
0x7c: {  	[sflag:s19] =	ssyncset.done $0x0  }
0x7d: {  	[sflag:s19] =	ssyncadd.s32 $0xFFFFEC00  }
0x7e: {  	_ =	swait.ge [sflag:s20], $0x1400  }
0x7f: {  	[sflag:s20] =	ssyncset.done $0x0  }
0x80: {  	[sflag:s20] =	ssyncadd.s32 $0xFFFFEC00  }
0x81: {  	_ =	swait.ge [sflag:s21], $0x1400  }
0x82: {  	[sflag:s21] =	ssyncset.done $0x0  }
0x83: {  	[sflag:s21] =	ssyncadd.s32 $0xFFFFEC00  }
0x84: {  	_ =	swait.ge [sflag:s22], $0x1400  }
0x85: {  	s14 =	simm.s32 $0x0;
	[sflag:s22] =	ssyncset.done $0x0  }
0x86: {  	s6 =	simm.s32 $0x9100;
	s4 =	rddreg [dreg:$0x6];
	[sflag:s22] =	ssyncadd.s32 $0xFFFFEC00  }
0x87: {  	[tilespmem:s14], [sflag:$0x11] =	stream.linear.gather [hbm4b:s4+s14], $0x7D00, $0x38;
	[tilespmem:$0x11D00] =	vst v63  }
0x88: {  	s30 =	simm.s32 $0x1;
	s31 =	sadd.s32 $0x280, s10;
	_ =	swait.ge [sflag:s11], $0x7D00  }
0x89: {  	s0 =	sand.u32 $0x7, s14;
	p0 =	por $0x0, $0x0;
	[sflag:s11] =	ssyncset.done $0x0  }
0x8a: {  	s5 =	simm.s32 $0x7D00;
	p2 =	por @!p0 $0x1, $0x1;
	[sflag:s11] =	ssyncadd.s32 $0xFFFF8300  }
0x8b: {  	[tilespmem:s5], [sflag:$0x1] =	stream.indirect.gather [hbm4b:s3+s12], $0x40, s14, s12, $0xb8;
	[tilespmem:$0x11D00] =	vst v63  }
0x8c: {  	s29 =	simm.s32 $0x140;
	s1 =	simm.s32 $0x4;
	p1 =	por p2, p0  }
0x8d: {  	[tilespmem:s6], [sflag:$0x2] =	stream.indirect.gather [hbm4b:s3+s12], $0x40, s12, s12, $0xb8;
	[tilespmem:$0x11D00] =	vst v63  }
0x8e: {  	s7 =	sadd.s32 $0x1, s0;
	p2 =	por !p2, p0;
	s6 =	sand.u32 @!p1 $0x7, s1  }
0x8f: {  	[tilespmem:s16], [sflag:$0x3] =	stream.indirect.gather [hbm4b:s3+s12], $0x40, s15, s12, $0xb8;
	[tilespmem:$0x11D00] =	vst v63  }
0x90: {  	s13 =	smul.u32 $0x5000, s0;
	s14 =	sadd.s32 $0x9, s0;
	s1 =	smov.u32 @p2 s6  }
0x91: {  	[tilespmem:s18], [sflag:$0x4] =	stream.indirect.gather [hbm4b:s3+s12], $0x40, s17, s12, $0xb8;
	[tilespmem:$0x11D00] =	vst v63  }
0x92: {  	s0 =	sadd.s32 @!p1 $0x9, s6;
	s6 =	smul.u32 @!p0 $0x5000, s1;
	_ =	swait.ge [sflag:s7], $0x1400  }
0x93: {  	s4 =	simm.s32 @!p0 $0x50;
	s5 =	sshrl.u32 s13, $0x2;
	[sflag:s7] =	ssyncset.done $0x0  }
0x94: {  	s5 =	sadd.s32 $0x7D00, s5;
	s6 =	sshra.s32 @!p0 s6, $0x2;
	[sflag:s7] =	ssyncadd.s32 $0xFFFFEC00  }
0x95: {  	[hbm4b:s10+s2] =	stream.linear.scatter [tilespmem:s5], [sflag:s14], $0x1400, $0x38;
	[tilespmem:$0x11D00] =	vst v63  }
0x96: {  	s5 =	sadd.s32 @!p0 $0x1, s1;
	s1 =	simm.s32 $0x190;
	_ =	swait.ge @!p1 [sflag:s0], $0x1400  }
.LBB2_6:
0x97: {  	[sflag:s0] =	ssyncset.done @!p1 $0x0;
	s6 =	sadd.s32 @!p0 $0x7D00, s6  }
0x98: {  	s7 =	smov.u32 s30;
	s30 =	sadd.s32 $0x1, s30;
	s13 =	smov.u32 s31  }
0x99: {  	p2 =	sne.s32 s30, $0x190;
	[sflag:s0] =	ssyncadd.s32 @!p1 $0xFFFFEC00  }
0x9a: {  	[tilespmem:s6], [sflag:s5] =	stream.indirect.gather @!p0 [hbm4b:s3+s4], $0x40, s29, s4, $0xb8;
	[tilespmem:$0x11D00] =	vst v63  }
0x9b: {  	s0 =	sand.u32 $0x7, s7;
	s29 =	smov.u32 s1  }
0x9c: {  	s5 =	sadd.s32 $0x4, s7;
	p0 =	sgt.u32 s7, $0x18B;
	s4 =	sadd.s32 $0x1, s0  }
0x9d: {  	s6 =	smul.u32 $0x5000, s0;
	s14 =	sadd.s32 $0x9, s0;
	p3 =	slt.u32 @!p0 s7, $0x4  }
0x9e: {  	p1 =	por p3, p0;
	p3 =	por !p3, p0;
	_ =	swait.ge [sflag:s4], $0x1400  }
0x9f: {  	s6 =	sshrl.u32 s6, $0x2;
	s7 =	sand.u32 @!p1 $0x7, s5;
	[sflag:s4] =	ssyncset.done $0x0  }
.Ltmp2:
0xa0: {  	s6 =	sadd.s32 $0x7D00, s6;
	[sflag:s4] =	ssyncadd.s32 $0xFFFFEC00;
	(pc) =	sbr.rel @p2 .LBB2_6-.Ltmp2, $4  }
0xa1: {  	s0 =	sadd.s32 @!p1 $0x9, s7;
	s5 =	smov.u32 @p3 s7;
	s4 =	simm.s32 @!p0 $0x50  }
0xa2: {  	s31 =	sadd.s32 $0x280, s31;
	s7 =	smul.u32 @!p0 $0x5000, s5;
	s5 =	sadd.s32 @!p0 $0x1, s5  }
0xa3: {  	[hbm4b:s13+s2] =	stream.linear.scatter [tilespmem:s6], [sflag:s14], $0x1400, $0x38;
	[tilespmem:$0x11D00] =	vst v63  }
0xa4: {  	s1 =	sadd.s32 $0x50, s1;
	s6 =	sshra.s32 @!p0 s7, $0x2;
	_ =	swait.ge @!p1 [sflag:s0], $0x1400  }
0xa5: {  	[sflag:s0] =	ssyncset.done @!p1 $0x0  }
0xa6: {  	s1 =	sadd.s32 @!p0 $0x7D00, s6;
	[sflag:s0] =	ssyncadd.s32 @!p1 $0xFFFFEC00  }
0xa7: {  	[tilespmem:s1], [sflag:s5] =	stream.indirect.gather @!p0 [hbm4b:s3+s4], $0x40, s29, s4, $0xb8;
	[tilespmem:$0x11D00] =	vst v63  }
0xa8: {  	_ =	swait.ge [sflag:s23], $0x1400  }
0xa9: {  	[sflag:s23] =	ssyncset.done $0x0  }
0xaa: {  	[sflag:s23] =	ssyncadd.s32 $0xFFFFEC00  }
0xab: {  	_ =	swait.ge [sflag:s24], $0x1400  }
0xac: {  	[sflag:s24] =	ssyncset.done $0x0  }
0xad: {  	[sflag:s24] =	ssyncadd.s32 $0xFFFFEC00  }
0xae: {  	_ =	swait.ge [sflag:s25], $0x1400  }
0xaf: {  	[sflag:s25] =	ssyncset.done $0x0  }
0xb0: {  	[sflag:s25] =	ssyncadd.s32 $0xFFFFEC00  }
0xb1: {  	_ =	swait.ge [sflag:s26], $0x1400  }
0xb2: {  	[sflag:s26] =	ssyncset.done $0x0  }
0xb3: {  	[sflag:s26] =	ssyncadd.s32 $0xFFFFEC00  }
0xb4: {  	_ =	swait.ge [sflag:s19], $0x1400  }
0xb5: {  	[sflag:s19] =	ssyncset.done $0x0  }
0xb6: {  	[sflag:s19] =	ssyncadd.s32 $0xFFFFEC00  }
0xb7: {  	_ =	swait.ge [sflag:s20], $0x1400  }
0xb8: {  	[sflag:s20] =	ssyncset.done $0x0  }
0xb9: {  	[sflag:s20] =	ssyncadd.s32 $0xFFFFEC00  }
0xba: {  	_ =	swait.ge [sflag:s21], $0x1400  }
0xbb: {  	[sflag:s21] =	ssyncset.done $0x0  }
0xbc: {  	[sflag:s21] =	ssyncadd.s32 $0xFFFFEC00  }
0xbd: {  	_ =	swait.ge [sflag:s22], $0x1400  }
0xbe: {  	s28 =	sadd.s32 $0x1, s28;
	s31 =	rddreg [dreg:$0x7]  }
0xbf: {  	p0 =	sne.s32 s28, s31  }
.Ltmp3:
0xc0: {  	_ = 	snop;
	(pc) =	sbr.rel @p0 .LBB2_1-.Ltmp3, $3  }
0xc1: {  	_ =	sdelay $0x1  }
0xc2: {  	[sflag:s22] =	ssyncset.done $0x0  }
0xc3: {  	[sflag:s22] =	ssyncadd.s32 $0xFFFFEC00  }
0xc4: {  	_ =	sfence.sel $0x180000  }
0xc5: {  	[bflag:$0x0] =	sbarrier.arrive $0xFFFF  }
0xc6: {  	_ =	strace $0x9000004A  }
0xc7: {  	s0 =	stileid.u32;
	[bflag:$0x2] =	sbarrier.arrive $0xFFFF  }
0xc8: {  	p0 =	sne.s32 s0, $0x0;
	s0 =	rddreg [dreg:$0x3]  }
0xc9: {  	s0 =	sadd.s32 @!p0 $0x100000, s0  }
0xca: {  	[sflag:s0] =	ssyncadd.tile.s32 @!p0 $0x1;
	_ =	shalt  }
.Lfunc_end2:
_tile_overlayer_lowered:
.L_overlay_start_2:
0xcb: {  	(tag) =	ssettag $0x2  }
0xcc: {  	s0 =	rddreg [dreg:$0x0];
	s2 =	stileid.u32  }
0xcd: {  	s1 =	rddreg [dreg:$0x1];
	p0 =	sne.s32 s2, $0x0  }
0xce: {  	s3 =	rddreg [dreg:$0x2];
	[bflag:$0x3] =	sbarrier.arrive $0xFFFF;
	s2 =	simm.s32 @!p0 $0x1C11  }
0xcf: {  	[timem:s3], [sflag:s2] =	dma.local @!p0 [hbm:s0], s1  }
0xd0: {  	s0 =	simm.s32 @!p0 $0x11  }
0xd1: {  	_ =	swait.ge @!p0 [sflag:s0], s1  }
0xd2: {  	s1 =	ssub.s32 @!p0 $0x0, s1;
	[sflag:s0] =	ssyncset.done @!p0 $0x0  }
0xd3: {  	[sflag:s0] =	ssyncadd.s32 @!p0 s1  }
0xd4: {  	[bflag:$0x3] =	sbarrier.arrive $0xFFFF  }
0xd5: {  	_ =	shalt  }

// kernel: kernel.7.cloned.1.call-start
scs
__scs_entry_jumppad:
0x0: {  	(pc) =	sbr.rel $0x88, $3  }
0x1: {  	(tag) =	ssettag $0x0;
	lr =	simm.s32 $0x1  }
0x2: {  	[smem:$0x3F9D] =	sst lr;
	_ =	strace $0xD0000000  }
0x3: {  	_ = 	snop  }
0x4: {  	_ = 	snop  }
0x5: {  	_ = 	snop  }
0x6: {  	_ = 	snop  }
0x7: {  	_ = 	snop  }
__scs_overlays_trampoline_lowered:
0x8: {  	[smem:$0x3FAC] =	sst s0  }
0x9: {  	[smem:$0x3FAD] =	sst s1  }
0xa: {  	[smem:$0x3FAE] =	sst s2  }
0xb: {  	[smem:$0x3FAF] =	sst s3  }
0xc: {  	[smem:$0x3FB0] =	sst s4  }
0xd: {  	[smem:$0x3FB1] =	sst s5  }
0xe: {  	[smem:$0x3FB2] =	sst s6  }
0xf: {  	[smem:$0x3FB3] =	sst s7  }
0x10: {  	[smem:$0x3FB4] =	sst s8  }
0x11: {  	[smem:$0x3FB5] =	sst s9;
	s0 =	simm.s32 @!p0 $0x0  }
0x12: {  	s1 =	sld [smem:$0x3F9B];
	s0 =	simm.s32 @p0 $0x1  }
0x13: {  	[smem:$0x3FB6] =	sst s0;
	s0 =	simm.s32 @!p1 $0x0  }
0x14: {  	s2 =	sld [smem:$0x3F9A];
	s0 =	simm.s32 @p1 $0x1  }
0x15: {  	[smem:$0x3FB7] =	sst s0;
	s0 =	simm.s32 @!p2 $0x0  }
0x16: {  	s3 =	sld [smem:$0x3FDB];
	s0 =	simm.s32 @p2 $0x1  }
0x17: {  	s4 =	simm.s32 $0x1BF5;
	[smem:$0x3FB9] =	sst s0  }
0x18: {  	s0 =	sld [smem:$0x3F9C];
	_ =	swait.ge [sflag:s4], $0x0  }
0x19: {  	s7 =	sld [smem:$0x3F9D]  }
0x1a: {  	s8 =	sadd.s32 $0xFFFFE003, lr  }
0x1b: {  	s9 =	sadd.s32 $0xFFFFFEF7, lr;
	s5 =	simm.s32 $0xFFFFFFFF;
	p2 =	slt.u32 s8, $0xFFFFF086  }
0x1c: {  	p1 =	slt.u32 s9, $0xF7A;
	s5 =	simm.s32 @!p2 $0x0  }
0x1d: {  	s5 =	simm.s32 @p1 $0x1;
	p0 =	seq.s32 s7, s2  }
0x1e: {  	s7 =	smul.u32 @!p0 $0xF7A, s2;
	p2 =	seq.s32 @!p0 s5, $0x0  }
0x1f: {  	s9 =	smul.u32 $0xF7A, s1;
	s8 =	simm.s32 @!p0 $0x1BF5;
	p2 =	por !p2, p0  }
0x20: {  	[sflag:s8] =	ssyncset.s32 @!p0 $0xFFFFF086;
	s6 =	sadd.s32 @!p0 s3, s7;
	s7 =	simm.s32 @!p0 $0x108  }
0x21: {  	s3 =	sadd.s32 s3, s9;
	s6 =	sadd.s32 @!p0 $0x88, s6;
	s7 =	simm.s32 @p2 $0x1082  }
0x22: {  	[simem:s7], [sflag:s8] =	dma.local @!p0 [hbm:s6], $0xF7A  }
0x23: {  	s9 =	sor.u32 $0xD0000000, s2;
	s6 =	simm.s32 $0x108;
	_ =	swait.ge @!p0 [sflag:s8], $0x0  }
0x24: {  	s3 =	sadd.s32 $0x88, s3;
	s6 =	simm.s32 @!p1 $0x1082;
	[sflag:s4] =	ssyncset.s32 $0xFFFFF086  }
0x25: {  	[simem:s6], [sflag:s4] =	dma.local [hbm:s3], $0xF7A  }
0x26: {  	[smem:$0x3F9D] =	sst s1;
	(tag) =	ssettag s2;
	_ =	strace s9  }
0x27: {  	s1 =	sld [smem:$0x3FAD]  }
0x28: {  	s2 =	sld [smem:$0x3FAE]  }
0x29: {  	s4 =	sld [smem:$0x3FB0]  }
0x2a: {  	p0 =	seq.s32 s5, $0x0;
	s5 =	sld [smem:$0x3FB1]  }
0x2b: {  	s6 =	sld [smem:$0x3FB2]  }
0x2c: {  	s7 =	sld [smem:$0x3FB3]  }
0x2d: {  	s3 =	simm.s32 $0x108;
	s8 =	sld [smem:$0x3FB4]  }
0x2e: {  	s3 =	simm.s32 @!p0 $0x1082;
	s9 =	sld [smem:$0x3FB5]  }
0x2f: {  	lr =	sadd.s32 s0, s3;
	s0 =	sld [smem:$0x3FAC]  }
0x30: {  	s3 =	sld [smem:$0x3FAF]  }
0x31: {  	[smem:$0x3FB8] =	sst s10  }
0x32: {  	s10 =	sld [smem:$0x3FB6];
	_ =	sdelay $0x3  }
0x33: {  	p0 =	seq.s32 s10, $0x1;
	s10 =	sld [smem:$0x3FB8];
	_ =	sdelay $0x3  }
0x34: {  	[smem:$0x3FB8] =	sst s10  }
0x35: {  	s10 =	sld [smem:$0x3FB7];
	_ =	sdelay $0x3  }
0x36: {  	p1 =	seq.s32 s10, $0x1;
	s10 =	sld [smem:$0x3FB8];
	_ =	sdelay $0x3  }
0x37: {  	[smem:$0x3FB8] =	sst s10  }
0x38: {  	s10 =	sld [smem:$0x3FB9]  }
0x39: {  	_ = 	snop;
	(pc) =	sbr.ind lr, $3  }
0x3a: {  	_ = 	snop  }
0x3b: {  	_ = 	snop  }
0x3c: {  	p2 =	seq.s32 s10, $0x1;
	s10 =	sld [smem:$0x3FB8]  }
0x3d: {  	_ =	shalt  }
0x3e: {  	_ =	shalt  }
0x3f: {  	_ =	shalt  }
0x40: {  	_ =	shalt  }
0x41: {  	_ =	shalt  }
0x42: {  	_ =	shalt  }
0x43: {  	_ =	shalt  }
0x44: {  	_ =	shalt  }
0x45: {  	_ =	shalt  }
0x46: {  	_ =	shalt  }
0x47: {  	_ =	shalt  }
0x48: {  	_ =	shalt  }
0x49: {  	_ =	shalt  }
0x4a: {  	_ =	shalt  }
0x4b: {  	_ =	shalt  }
0x4c: {  	_ =	shalt  }
0x4d: {  	_ =	shalt  }
0x4e: {  	_ =	shalt  }
0x4f: {  	_ =	shalt  }
0x50: {  	_ =	shalt  }
0x51: {  	_ =	shalt  }
0x52: {  	_ =	shalt  }
0x53: {  	_ =	shalt  }
0x54: {  	_ =	shalt  }
0x55: {  	_ =	shalt  }
0x56: {  	_ =	shalt  }
0x57: {  	_ =	shalt  }
0x58: {  	_ =	shalt  }
0x59: {  	_ =	shalt  }
0x5a: {  	_ =	shalt  }
0x5b: {  	_ =	shalt  }
0x5c: {  	_ =	shalt  }
0x5d: {  	_ =	shalt  }
0x5e: {  	_ =	shalt  }
0x5f: {  	_ =	shalt  }
0x60: {  	_ =	shalt  }
0x61: {  	_ =	shalt  }
0x62: {  	_ =	shalt  }
0x63: {  	_ =	shalt  }
0x64: {  	_ =	shalt  }
0x65: {  	_ =	shalt  }
0x66: {  	_ =	shalt  }
0x67: {  	_ =	shalt  }
0x68: {  	_ =	shalt  }
0x69: {  	_ =	shalt  }
0x6a: {  	_ =	shalt  }
0x6b: {  	_ =	shalt  }
0x6c: {  	_ =	shalt  }
0x6d: {  	_ =	shalt  }
0x6e: {  	_ =	shalt  }
0x6f: {  	_ =	shalt  }
0x70: {  	_ =	shalt  }
0x71: {  	_ =	shalt  }
0x72: {  	_ =	shalt  }
0x73: {  	_ =	shalt  }
0x74: {  	_ =	shalt  }
0x75: {  	_ =	shalt  }
0x76: {  	_ =	shalt  }
0x77: {  	_ =	shalt  }
0x78: {  	_ =	shalt  }
0x79: {  	_ =	shalt  }
0x7a: {  	_ =	shalt  }
0x7b: {  	_ =	shalt  }
0x7c: {  	_ =	shalt  }
0x7d: {  	_ =	shalt  }
0x7e: {  	_ =	shalt  }
0x7f: {  	_ =	shalt  }
0x80: {  	_ =	shalt  }
0x81: {  	_ =	shalt  }
0x82: {  	_ =	shalt  }
0x83: {  	_ =	shalt  }
0x84: {  	_ =	shalt  }
0x85: {  	_ =	shalt  }
0x86: {  	_ =	shalt  }
0x87: {  	_ =	shalt  }
.Lfunc_end0:
.L_simem_size_0:
called_computation_lowered:
.L_overlay_start_0:
0x88: {  	s2 =	sld [smem:$0x3FD9]  }
0x89: {  	s3 =	sld [smem:$0x3FFE];
	_ =	sdelay $0x1  }
0x8a: {  	s1 =	srdreg.scid  }
0x8b: {  	s0 =	sand.u32 $0x1, s1  }
0x8c: {  	s14 =	sshll.u32 s0, $0xA;
	s2 =	sadd.s32 s3, s2  }
0x8d: {  	s2 =	sadd.s32 s2, s14  }
0x8e: {  	[smem:$0x3FC4] =	sst s2  }
0x8f: {  	_ = 	snop  }
0x90: {  	s2 =	sld [smem:$0x3FD0];
	_ =	sdelay $0x2  }
0x91: {  	s15 =	simm.s32 $0xA;
	s4 =	simm.s32 $0x10  }
0x92: {  	[smem:s4], [sflag:s15] =	dma.local [hbm:s2], $0x1  }
0x93: {  	_ =	swait.eq [sflag:s15], $0x1  }
0x94: {  	[sflag:s15] =	ssyncset.done $0x0  }
0x95: {  	[sflag:s15] =	ssyncadd.s32 $0xFFFFFFFF  }
0x96: {  	s16 =	sld [smem:$0x11];
	(tm) =	ssettm $0x1  }
0x97: {  	s17 =	sld [smem:$0x3FFB];
	_ =	sdelay $0x3  }
0x98: {  	_ =	strace s17  }
0x99: {  	s3 =	sld [smem:$0x3FFC];
	_ =	sdelay $0x3  }
0x9a: {  	_ =	strace s3  }
0x9b: {  	s3 =	sld [smem:$0x3FFD];
	_ =	sdelay $0x3  }
0x9c: {  	_ =	strace s3  }
0x9d: {  	_ =	strace $0x8FFFFFFF  }
0x9e: {  	s18 =	sld [smem:$0x3FDB];
	_ =	sdelay $0x1  }
0x9f: {  	s19 =	simm.s32 $_scs_section_size  }
0xa0: {  	s5 =	simm.s32 $_size__tile_overlayer_lowered;
	s6 =	simm.s32 $_tile_overlayer_lowered  }
0xa1: {  	s22 =	simm.s32 $0x1BFF;
	s21 =	sshll.u32 s6, $0x1;
	s3 =	sadd.s32 s19, s18  }
0xa2: {  	s7 =	simm.s32 $0x0;
	s20 =	sshll.u32 s5, $0x1;
	s5 =	sadd.s32 s21, s3  }
0xa3: {  	[timem:s7], [sflag:s22] =	dma.local [hbm:s5], s20  }
0xa4: {  	_ =	swait.ge [sflag:s22], s20  }
0xa5: {  	s4 =	ssub.s32 $0x0, s20;
	[sflag:s22] =	ssyncset.done $0x0  }
0xa6: {  	[sflag:s22] =	ssyncadd.s32 s4;
	_ =	sdelay $0x1  }
0xa7: {  	s23 =	simm.s32 $0x1B8B  }
0xa8: {  	_ =	swait.ge [sflag:s23], $0x1  }
0xa9: {  	[sflag:s23] =	ssyncset.done $0x0  }
0xaa: {  	s25 =	simm.s32 $0x1B8E;
	s24 =	sld [smem:$0x3FFE];
	[sflag:s23] =	ssyncadd.s32 $0xFFFFFFFF  }
0xab: {  	s26 =	simm.s32 $execute0_lowered;
	[smem:$0x3FD2] =	sst s25  }
0xac: {  	s5 =	sshll.u32 s26, $0x1;
	_ =	strace $0x80000046;
	[dreg:$0x1] =	wrdreg $0xFFFFFFFF  }
0xad: {  	s28 =	simm.s32 $_size_execute0_lowered;
	s3 =	sadd.s32 s3, s5;
	[dreg:$0x0] =	wrdreg $0x0  }
0xae: {  	s5 =	sshll.u32 s28, $0x1;
	[dreg:$0x2] =	wrdreg s3  }
0xaf: {  	[dreg:$0x3] =	wrdreg s5  }
0xb0: {  	[dreg:$0x4] =	wrdreg $0xC0  }
0xb1: {  	_ =	task [dreg:s7], $0x5FFFF  }
0xb2: {  	[dreg:$0x1] =	wrdreg $0xFFFFFFFF  }
0xb3: {  	[dreg:$0x0] =	wrdreg $0x60  }
0xb4: {  	[dreg:$0x2] =	wrdreg s16  }
0xb5: {  	[dreg:$0x3] =	wrdreg s24  }
0xb6: {  	[dreg:$0x4] =	wrdreg $0x9  }
0xb7: {  	_ =	task.clear_ibuf [dreg:s7], $0x5FFFF;
	_ =	strace $0x90000046  }
0xb8: {  	s29 =	simm.s32 $0x9;
	_ =	strace $0x80000048  }
0xb9: {  	_ =	swait.ge [sflag:s29], $0x1  }
0xba: {  	[sflag:s29] =	ssyncadd.s32 $0xFFFFFFFF  }
0xbb: {  	_ =	strace $0x90000048  }
0xbc: {  	_ =	sfence  }
0xbd: {  	s30 =	sld [smem:$0x0];
	_ =	sdelay $0x2  }
0xbe: {  	s31 =	sshll.u32 s1, $0xD;
	s1 =	sshrl.u32 s1, $0x2  }
0xbf: {  	s3 =	sand.u32 $0x4000, s31;
	s1 =	sadd.s32 s1, s30  }
0xc0: {  	s0 =	sor.u32 s3, s0;
	s1 =	sshll.u32 s1, $0x11  }
0xc1: {  	s0 =	sor.u32 s1, s0  }
0xc2: {  	s0 =	sadd.s32 $0x8F2B, s0  }
0xc3: {  	[sflag:s0] =	ssyncadd.remote.s32 $0x1  }
0xc4: {  	_ =	sfence.sel $0xFFFF  }
0xc5: {  	[dreg:$0x0] =	wrdreg $0xFFFFFFFF;
	(pc) =	sbr.abs _section_cstart, $3  }
0xc6: {  	[dreg:$0x1] =	wrdreg $0xFFFFFFFF  }
0xc7: {  	_ =	task.clear_ibuf [dreg:s7], $0x2FFFF;
	_ =	strace $0x9FFFFFFF  }
0xc8: {  	(tm) =	ssettm $0x7FFFFFFF  }
0xc9: {  	_ =	shalt  }
tec
execute0_lowered:
.L_overlay_start_1:
0x0: {  	(tag) =	ssettag $0x1  }
0x1: {  	s1 =	srdreg.scid;
	s0 =	stileid.u32  }
0x2: {  	s17 =	sand.u32 $0x1, s1;
	s31 =	sshll.u32 s0, $0x1  }
0x3: {  	s5 =	sor.u32 s17, s31  }
0x4: {  	s16 =	rddreg [dreg:$0x0];
	s3 =	smul.u32 $0x30D40, s5  }
0x5: {  	s6 =	rddreg [dreg:$0x1];
	s2 =	simm.s32 $0x0  }
0x6: {  	s4 =	simm.s32 $0x1;
	[smem:$0x7FF] =	sst s2;
	s18 =	sshrl.u32 s3, $0x3  }
0x7: {  	s1 =	rddreg [dreg:$0x2];
	_ =	strace $0x80000047;
	s3 =	sadd.s32 s16, s18  }
0x8: {  	[tilespmem:s2], [sflag:$0x1] =	stream.linear.gather [hbm4b:s3+s2], $0x9C40, $0x38;
	[tilespmem:$0x13900] =	vst v63  }
0x9: {  	_ =	swait.ge [sflag:s4], $0x9C40  }
0xa: {  	p0 =	sne.s32 s5, $0x0;
	[sflag:s4] =	ssyncset.done $0x0  }
0xb: {  	v0 =	vimm.f32 @!p0 $0.0e+00;
	[sflag:s4] =	ssyncadd.s32 $0xFFFF63C0  }
0xc: {  	[tilespmem:$0x30] =	vst @!p0 v0  }
0xd: {  	[tilespmem:$0x20] =	vst @!p0 v0  }
0xe: {  	s19 =	sadd.s32 $0x1000, s6;
	[tilespmem:$0x0] =	vst @!p0 v0  }
0xf: {  	s5 =	sadd.s32 s19, s18;
	s9 =	sadd.s32 $0x1388, s18;
	[tilespmem:$0x10] =	vst @!p0 v0  }
0x10: {  	[hbm4b:s5+s2] =	stream.linear.scatter [tilespmem:s2], [sflag:$0x3], $0x9C40, $0x38;
	[tilespmem:$0x13900] =	vst v63  }
0x11: {  	s7 =	simm.s32 $0x9C80;
	s8 =	simm.s32 $0x2;
	s6 =	sadd.s32 s16, s9  }
0x12: {  	[tilespmem:s7], [sflag:$0x2] =	stream.linear.gather [hbm4b:s6+s2], $0x9C40, $0x38;
	[tilespmem:$0x13900] =	vst v63  }
0x13: {  	_ =	swait.ge [sflag:s8], $0x9C40  }
0x14: {  	[sflag:s8] =	ssyncset.done $0x0  }
0x15: {  	s10 =	sadd.s32 s19, s9;
	s9 =	simm.s32 $0x3;
	[sflag:s8] =	ssyncadd.s32 $0xFFFF63C0  }
0x16: {  	[hbm4b:s10+s2] =	stream.linear.scatter [tilespmem:s7], [sflag:$0x4], $0x9C40, $0x38;
	[tilespmem:$0x13900] =	vst v63  }
0x17: {  	_ =	swait.ge [sflag:s9], $0x9C40  }
0x18: {  	s12 =	sadd.s32 $0x2710, s18;
	[sflag:s9] =	ssyncset.done $0x0  }
0x19: {  	s11 =	sadd.s32 s16, s12;
	[sflag:s9] =	ssyncadd.s32 $0xFFFF63C0  }
0x1a: {  	[tilespmem:s2], [sflag:$0x1] =	stream.linear.gather [hbm4b:s11+s2], $0x9C40, $0x38;
	[tilespmem:$0x13900] =	vst v63  }
0x1b: {  	_ =	swait.ge [sflag:s4], $0x9C40  }
0x1c: {  	[sflag:s4] =	ssyncset.done $0x0  }
0x1d: {  	s13 =	sadd.s32 s19, s12;
	s12 =	simm.s32 $0x4;
	[sflag:s4] =	ssyncadd.s32 $0xFFFF63C0  }
0x1e: {  	[hbm4b:s13+s2] =	stream.linear.scatter [tilespmem:s2], [sflag:$0x3], $0x9C40, $0x38;
	[tilespmem:$0x13900] =	vst v63  }
0x1f: {  	_ =	swait.ge [sflag:s12], $0x9C40  }
0x20: {  	s15 =	sadd.s32 $0x3A98, s18;
	[sflag:s12] =	ssyncset.done $0x0  }
0x21: {  	s14 =	sadd.s32 s16, s15;
	[sflag:s12] =	ssyncadd.s32 $0xFFFF63C0  }
0x22: {  	[tilespmem:s7], [sflag:$0x2] =	stream.linear.gather [hbm4b:s14+s2], $0x9C40, $0x38;
	[tilespmem:$0x13900] =	vst v63  }
0x23: {  	_ =	swait.ge [sflag:s8], $0x9C40  }
0x24: {  	s17 =	ssub.s32 $0x2, s17;
	[sflag:s8] =	ssyncset.done $0x0  }
0x25: {  	s20 =	sshrl.u32 s17, $0x1;
	s15 =	sadd.s32 s19, s15;
	[sflag:s8] =	ssyncadd.s32 $0xFFFF63C0  }
0x26: {  	[hbm4b:s15+s2] =	stream.linear.scatter [tilespmem:s7], [sflag:$0x4], $0x9C40, $0x38;
	[tilespmem:$0x13900] =	vst v63  }
0x27: {  	s17 =	ssub.s32 s17, s20;
	s18 =	sadd.s32 $0x4E20, s18;
	_ =	swait.ge [sflag:s9], $0x9C40  }
0x28: {  	s20 =	smax.u32 s17, $0x1;
	s16 =	sadd.s32 s16, s18;
	[sflag:s9] =	ssyncset.done $0x0  }
0x29: {  	s17 =	sadd.s32 s19, s18;
	s18 =	sadd.s32 $0xFFFFFFFF, s20;
	[sflag:s9] =	ssyncadd.s32 $0xFFFF63C0  }
0x2a: {  	[tilespmem:s2], [sflag:$0x1] =	stream.linear.gather [hbm4b:s16+s2], $0x9C40, $0x38;
	[tilespmem:$0x13900] =	vst v63  }
0x2b: {  	p1 =	sne.s32 s18, $0x0;
	_ =	swait.ge [sflag:s4], $0x9C40  }
.Ltmp0:
0x2c: {  	[sflag:s4] =	ssyncset.done $0x0;
	(pc) =	sbr.rel @!p1 .LBB2_2-.Ltmp0, $4  }
0x2d: {  	[sflag:s4] =	ssyncadd.s32 $0xFFFF63C0  }
0x2e: {  	[hbm4b:s17+s2] =	stream.linear.scatter [tilespmem:s2], [sflag:$0x3], $0x9C40, $0x38;
	[tilespmem:$0x13900] =	vst v63  }
0x2f: {  	_ =	swait.ge [sflag:s12], $0x9C40  }
0x30: {  	[sflag:s12] =	ssyncset.done $0x0  }
.LBB2_1:
0x31: {  	s18 =	sadd.s32 $0xFFFFFFFF, s18;
	[sflag:s12] =	ssyncadd.s32 $0xFFFF63C0  }
0x32: {  	p1 =	sne.s32 s18, $0x0;
	_ =	swait.ge [sflag:s9], $0x9C40  }
0x33: {  	[sflag:s9] =	ssyncset.done $0x0  }
0x34: {  	[sflag:s9] =	ssyncadd.s32 $0xFFFF63C0  }
0x35: {  	[tilespmem:s2], [sflag:$0x1] =	stream.linear.gather [hbm4b:s3+s2], $0x9C40, $0x38;
	[tilespmem:$0x13900] =	vst v63  }
0x36: {  	_ =	swait.ge [sflag:s4], $0x9C40  }
0x37: {  	[sflag:s4] =	ssyncset.done $0x0  }
0x38: {  	[sflag:s4] =	ssyncadd.s32 $0xFFFF63C0  }
0x39: {  	[tilespmem:$0x30] =	vst @!p0 v0  }
0x3a: {  	[tilespmem:$0x20] =	vst @!p0 v0  }
0x3b: {  	[tilespmem:$0x0] =	vst @!p0 v0  }
0x3c: {  	[tilespmem:$0x10] =	vst @!p0 v0  }
0x3d: {  	[hbm4b:s5+s2] =	stream.linear.scatter [tilespmem:s2], [sflag:$0x3], $0x9C40, $0x38;
	[tilespmem:$0x13900] =	vst v63  }
0x3e: {  	_ = 	snop  }
0x3f: {  	[tilespmem:s7], [sflag:$0x2] =	stream.linear.gather [hbm4b:s6+s2], $0x9C40, $0x38;
	[tilespmem:$0x13900] =	vst v63  }
0x40: {  	_ =	swait.ge [sflag:s8], $0x9C40  }
0x41: {  	[sflag:s8] =	ssyncset.done $0x0  }
0x42: {  	[sflag:s8] =	ssyncadd.s32 $0xFFFF63C0  }
0x43: {  	[hbm4b:s10+s2] =	stream.linear.scatter [tilespmem:s7], [sflag:$0x4], $0x9C40, $0x38;
	[tilespmem:$0x13900] =	vst v63  }
0x44: {  	_ =	swait.ge [sflag:s9], $0x9C40  }
0x45: {  	[sflag:s9] =	ssyncset.done $0x0  }
0x46: {  	[sflag:s9] =	ssyncadd.s32 $0xFFFF63C0  }
0x47: {  	[tilespmem:s2], [sflag:$0x1] =	stream.linear.gather [hbm4b:s11+s2], $0x9C40, $0x38;
	[tilespmem:$0x13900] =	vst v63  }
0x48: {  	_ =	swait.ge [sflag:s4], $0x9C40  }
0x49: {  	[sflag:s4] =	ssyncset.done $0x0  }
0x4a: {  	[sflag:s4] =	ssyncadd.s32 $0xFFFF63C0  }
0x4b: {  	[hbm4b:s13+s2] =	stream.linear.scatter [tilespmem:s2], [sflag:$0x3], $0x9C40, $0x38;
	[tilespmem:$0x13900] =	vst v63  }
0x4c: {  	_ =	swait.ge [sflag:s12], $0x9C40  }
0x4d: {  	[sflag:s12] =	ssyncset.done $0x0  }
0x4e: {  	[sflag:s12] =	ssyncadd.s32 $0xFFFF63C0  }
0x4f: {  	[tilespmem:s7], [sflag:$0x2] =	stream.linear.gather [hbm4b:s14+s2], $0x9C40, $0x38;
	[tilespmem:$0x13900] =	vst v63  }
0x50: {  	_ =	swait.ge [sflag:s8], $0x9C40  }
0x51: {  	[sflag:s8] =	ssyncset.done $0x0  }
0x52: {  	[sflag:s8] =	ssyncadd.s32 $0xFFFF63C0  }
0x53: {  	[hbm4b:s15+s2] =	stream.linear.scatter [tilespmem:s7], [sflag:$0x4], $0x9C40, $0x38;
	[tilespmem:$0x13900] =	vst v63  }
0x54: {  	_ =	swait.ge [sflag:s9], $0x9C40  }
0x55: {  	[sflag:s9] =	ssyncset.done $0x0  }
0x56: {  	[sflag:s9] =	ssyncadd.s32 $0xFFFF63C0  }
0x57: {  	[tilespmem:s2], [sflag:$0x1] =	stream.linear.gather [hbm4b:s16+s2], $0x9C40, $0x38;
	[tilespmem:$0x13900] =	vst v63  }
0x58: {  	_ =	swait.ge [sflag:s4], $0x9C40  }
.Ltmp1:
0x59: {  	[sflag:s4] =	ssyncset.done $0x0;
	(pc) =	sbr.rel @p1 .LBB2_1-.Ltmp1, $4  }
0x5a: {  	[sflag:s4] =	ssyncadd.s32 $0xFFFF63C0  }
0x5b: {  	[hbm4b:s17+s2] =	stream.linear.scatter [tilespmem:s2], [sflag:$0x3], $0x9C40, $0x38;
	[tilespmem:$0x13900] =	vst v63  }
0x5c: {  	_ =	swait.ge [sflag:s12], $0x9C40  }
0x5d: {  	[sflag:s12] =	ssyncset.done $0x0  }
.LBB2_2:
0x5e: {  	[sflag:s12] =	ssyncadd.s32 $0xFFFF63C0  }
0x5f: {  	_ =	swait.ge [sflag:s9], $0x9C40  }
0x60: {  	[sflag:s9] =	ssyncset.done $0x0  }
0x61: {  	[sflag:s9] =	ssyncadd.s32 $0xFFFF63C0  }
0x62: {  	_ =	sfence.sel $0x180000  }
0x63: {  	[bflag:$0x0] =	sbarrier.arrive $0xFFFF  }
0x64: {  	p0 =	sne.s32 s0, $0x0;
	_ =	strace $0x90000047  }
0x65: {  	s0 =	sadd.s32 @!p0 $0x100000, s1;
	[bflag:$0x2] =	sbarrier.arrive $0xFFFF  }
0x66: {  	[sflag:s0] =	ssyncadd.tile.s32 @!p0 $0x1;
	_ =	shalt  }
.Lfunc_end2:
_tile_overlayer_lowered:
.L_overlay_start_2:
0x67: {  	(tag) =	ssettag $0x2  }
0x68: {  	s0 =	rddreg [dreg:$0x0];
	s2 =	stileid.u32  }
0x69: {  	s1 =	rddreg [dreg:$0x1];
	p0 =	sne.s32 s2, $0x0  }
0x6a: {  	s3 =	rddreg [dreg:$0x2];
	[bflag:$0x3] =	sbarrier.arrive $0xFFFF;
	s2 =	simm.s32 @!p0 $0x1C05  }
0x6b: {  	[timem:s3], [sflag:s2] =	dma.local @!p0 [hbm:s0], s1  }
0x6c: {  	s0 =	simm.s32 @!p0 $0x5  }
0x6d: {  	_ =	swait.ge @!p0 [sflag:s0], s1  }
0x6e: {  	s1 =	ssub.s32 @!p0 $0x0, s1;
	[sflag:s0] =	ssyncset.done @!p0 $0x0  }
0x6f: {  	[sflag:s0] =	ssyncadd.s32 @!p0 s1  }
0x70: {  	[bflag:$0x3] =	sbarrier.arrive $0xFFFF  }
0x71: {  	_ =	shalt  }

</sc_bundles>
